<compile_context>
chip_gen: v7x
topology: tpu7x:2x2x1
jax: 0.10.2.dev20260603
libtpu: 0.0.44.dev20260713+nightly
codegen_flags: <defaults>
</compile_context>

<pallas_src>
import functools

import jax
import jax.numpy as jnp
from jax import lax
from jax.experimental import pallas as pl
from jax.experimental.pallas import tpu as pltpu
from jax.experimental.pallas import tpu_sc as plsc

N_VERTICES = 1000000
N_DIM = 32
BATCH = 16384

NC = 2
NS = 16
L = 16
NW = NC * NS

CV = 1024
NCHUNK = (N_VERTICES + CV - 1) // CV
LAST_CID = NCHUNK - 1
TAIL = 64
LAST_CV = N_VERTICES - LAST_CID * CV - TAIL
BASE_CPW = NCHUNK // NW
EXTRA = NCHUNK - BASE_CPW * NW
MAX_CPW = BASE_CPW + 1

CAP = 2816
EMB_W = 128
U_BASE = BATCH + 32
EMB_ROWS = 2 * U_BASE


def _ch0(w):
    return BASE_CPW * w + jnp.minimum(w, EXTRA)


def _emb_body(tableT_hbm, tail_hbm, pos_v_hbm, pos_u_hbm, emb_hbm,
              pp, cbuf, hv, hm, chv, chm, rowbuf, sem_s, sem_c):
    wid = lax.axis_index("s") * NC + lax.axis_index("c")
    ch0 = _ch0(wid)
    ch1 = _ch0(wid + 1)
    iota = lax.iota(jnp.int32, L)

    def issue_chunk(cid, buf, valid):
        @pl.when(valid & (cid != LAST_CID))
        def _():
            pltpu.make_async_copy(
                tableT_hbm.at[:, pl.ds(cid * CV, CV)], cbuf.at[buf], sem_s
            ).start()

        @pl.when(valid & (cid == LAST_CID))
        def _():
            pltpu.make_async_copy(
                tableT_hbm.at[:, pl.ds(LAST_CID * CV, LAST_CV)],
                cbuf.at[buf, :, pl.ds(0, LAST_CV)], sem_s,
            ).start()

    def wait_chunk(cid, buf, valid):
        @pl.when(valid & (cid != LAST_CID))
        def _():
            pltpu.make_async_copy(
                tableT_hbm.at[:, pl.ds(0, CV)], cbuf.at[buf], sem_s
            ).wait()

        @pl.when(valid & (cid == LAST_CID))
        def _():
            pltpu.make_async_copy(
                tableT_hbm.at[:, pl.ds(0, LAST_CV)],
                cbuf.at[buf, :, pl.ds(0, LAST_CV)], sem_s,
            ).wait()
            pltpu.sync_copy(tail_hbm, cbuf.at[buf, :, pl.ds(LAST_CV, 128)])

    def scan_pass(pos_ref, meta_base, start, carry):
        def body(j, c):
            ptr_all, ptr_st = c
            vec = pos_ref[pl.ds(j * L, L)]
            t = lax.shift_right_logical(vec, 10)
            m = (t >= ch0) & (t < ch1)
            m01 = m.astype(jnp.int32)
            cs = plsc.cumsum(m01)
            n_here = cs[L - 1]
            rank = ptr_all + cs
            keep = m & (rank > start) & (rank <= start + CAP)
            pk = plsc.all_reduce_population_count(keep)[0]
            plsc.store_compressed(hv.at[pl.ds(ptr_st, L)], vec, mask=keep)
            meta = meta_base + j * L + iota
            plsc.store_compressed(hm.at[pl.ds(ptr_st, L)], meta, mask=keep)
            return (ptr_all + n_here, ptr_st + pk)

        return lax.fori_loop(0, BATCH // L, body, carry)

    def round_body(state):
        r, _total = state
        start = r * CAP
        pltpu.sync_copy(pos_v_hbm, pp)
        ptr_all, nh = scan_pass(pp, 0, start, (jnp.int32(0), jnp.int32(0)))
        pltpu.sync_copy(pos_u_hbm, pp)
        ptr_all, nh = scan_pass(pp, U_BASE, start, (ptr_all, nh))

        issue_chunk(ch0, 0, True)
        issue_chunk(ch0 + 1, 1, True)

        def chunk_body(c, carry):
            cid = ch0 + c
            valid = cid < ch1
            buf = c % 3
            wait_chunk(cid, buf, valid)
            issue_chunk(cid + 2, (c + 2) % 3, cid + 2 < ch1)

            def rescan(k, cptr):
                hvv = hv[pl.ds(k * L, L)]
                hmv = hm[pl.ds(k * L, L)]
                live = (k * L + iota) < nh
                mm = live & (lax.shift_right_logical(hvv, 10) == cid)
                pk = plsc.all_reduce_population_count(mm)[0]
                plsc.store_compressed(chv.at[pl.ds(cptr, L)], hvv, mask=mm)
                plsc.store_compressed(chm.at[pl.ds(cptr, L)], hmv, mask=mm)
                return cptr + pk

            cptr = lax.fori_loop(0, (nh + L - 1) // L, rescan, jnp.int32(0))

            def extract(k2, xcarry):
                b = k2 % 2
                cv16 = chv[pl.ds(k2 * L, L)]
                cm16 = chm[pl.ds(k2 * L, L)]
                rem = cptr - k2 * L
                lanevalid = iota < rem
                vloc = jnp.clip(cv16 - cid * CV, 0, CV - 1)
                midx = jnp.where(lanevalid, cm16, BATCH + iota)

                @pl.when(k2 >= 2)
                def _():
                    pltpu.make_async_copy(
                        emb_hbm.at[pl.ds(0, L)], rowbuf.at[0], sem_c
                    ).wait()

                bsplat = jnp.full((L,), buf, jnp.int32)
                for i in range(L):
                    vl = jnp.full((L,), vloc[i], jnp.int32)
                    lo = plsc.load_gather(cbuf, [bsplat, iota, vl])
                    hi = plsc.load_gather(cbuf, [bsplat, iota + L, vl])
                    rowbuf[b, i, pl.ds(0, L)] = lo
                    rowbuf[b, i, pl.ds(L, L)] = hi
                pltpu.make_async_copy(rowbuf.at[b], emb_hbm.at[midx], sem_c).start()
                return xcarry

            ngc = (cptr + L - 1) // L
            lax.fori_loop(0, ngc, extract, 0)

            def drain(dk, dcarry):
                pltpu.make_async_copy(
                    emb_hbm.at[pl.ds(0, L)], rowbuf.at[0], sem_c
                ).wait()
                return dcarry

            lax.fori_loop(0, jnp.minimum(ngc, 2), drain, 0)
            return carry

        lax.fori_loop(0, MAX_CPW, chunk_body, 0)
        return (r + 1, ptr_all)

    def round_cond(state):
        r, total = state
        return r * CAP < total

    lax.while_loop(round_cond, round_body, (jnp.int32(0), jnp.int32(1)))


@jax.jit
def _sc_emb(tableT, tail, pos_v, pos_u):
    mesh = plsc.VectorSubcoreMesh(core_axis_name="c", subcore_axis_name="s")
    k = functools.partial(
        pl.kernel,
        mesh=mesh,
        out_type=jax.ShapeDtypeStruct((EMB_ROWS, EMB_W), jnp.float32),
        scratch_types=[
            pltpu.VMEM((BATCH,), jnp.int32),
            pltpu.VMEM((3, N_DIM, CV), jnp.float32),
            pltpu.VMEM((CAP + L,), jnp.int32),
            pltpu.VMEM((CAP + L,), jnp.int32),
            pltpu.VMEM((CAP + L,), jnp.int32),
            pltpu.VMEM((CAP + L,), jnp.int32),
            pltpu.VMEM((2, L, EMB_W), jnp.float32),
            pltpu.SemaphoreType.DMA,
            pltpu.SemaphoreType.DMA,
        ],
        compiler_params=pltpu.CompilerParams(needs_layout_passes=False),
    )(_emb_body)
    return k(tableT, tail, pos_v, pos_u)


BPW = BATCH // NW
SB = 256


def _dot_body(emb_hbm, score_hbm, rv, ru, score_v, sem):
    wid = lax.axis_index("s") * NC + lax.axis_index("c")
    base = wid * BPW
    lane = lax.iota(jnp.int32, L)

    def sub(s, carry):
        row0 = base + s * SB
        cp_v = pltpu.async_copy(emb_hbm.at[pl.ds(row0, SB)], rv, sem)
        cp_u = pltpu.async_copy(emb_hbm.at[pl.ds(U_BASE + row0, SB)], ru, sem)
        cp_v.wait()
        cp_u.wait()

        def group(g, c):
            acc = jnp.zeros((L,), jnp.float32)
            for i in range(L):
                r = g * L + i
                prod = (rv[r, pl.ds(0, L)] * ru[r, pl.ds(0, L)]
                        + rv[r, pl.ds(L, L)] * ru[r, pl.ds(L, L)])
                acc = jnp.where(lane == i, jnp.sum(prod), acc)
            score_v[pl.ds(g * L, L)] = acc
            return c

        lax.fori_loop(0, SB // L, group, 0)
        pltpu.sync_copy(score_v, score_hbm.at[pl.ds(row0, SB)])
        return carry

    lax.fori_loop(0, BPW // SB, sub, 0)


@jax.jit
def _sc_dot(emb):
    mesh = plsc.VectorSubcoreMesh(core_axis_name="c", subcore_axis_name="s")
    k = functools.partial(
        pl.kernel,
        mesh=mesh,
        out_type=jax.ShapeDtypeStruct((BATCH,), jnp.float32),
        scratch_types=[
            pltpu.VMEM((SB, EMB_W), jnp.float32),
            pltpu.VMEM((SB, EMB_W), jnp.float32),
            pltpu.VMEM((SB,), jnp.float32),
            pltpu.SemaphoreType.DMA,
        ],
        compiler_params=pltpu.CompilerParams(needs_layout_passes=False),
    )(_dot_body)
    return k(emb)


def _tc_loss_body(score_ref, w_ref, out_ref):
    s = score_ref[...]
    w = w_ref[...]
    loss = (jnp.maximum(-s, 0.0) + jnp.log1p(jnp.exp(-jnp.abs(s)))) * w
    out_ref[...] = jnp.sum(loss).reshape(1, 1)


@jax.jit
def _tc_loss(score, weights):
    out = pl.pallas_call(
        _tc_loss_body,
        out_shape=jax.ShapeDtypeStruct((1, 1), jnp.float32),
    )(score.reshape(128, 128), weights.reshape(128, 128))
    return out[0, 0]


def kernel(pos_v, pos_u, weights, table):
    pos_v = jnp.asarray(pos_v, jnp.int32)
    pos_u = jnp.asarray(pos_u, jnp.int32)
    tableT = table.T
    tail = jnp.pad(tableT[:, N_VERTICES - TAIL:], ((0, 0), (0, 128 - TAIL)))
    emb = _sc_emb(tableT, tail, pos_v, pos_u)
    score = _sc_dot(emb)
    return _tc_loss(score, weights)

# --- scband reference (transcript-rebuilt; emitter-appended) ---
"""Pipeline reference for scband-line1st-model-33973191311964 (READ-ONLY COPY).

The authoritative reference and input builder live on the scoring server;
editing this copy changes nothing except your own understanding.
"""

import jax, jax.numpy as jnp
import numpy as np

N_VERTICES = 1000000
N_DIM = 32
BATCH = 16384


def setup_inputs(seed: int = 0) -> dict:
    key = jax.random.key(seed)
    k1, k2, k3, k4 = jax.random.split(key, 4)
    pos_v = jax.random.randint(k1, (BATCH,), 0, N_VERTICES, dtype=jnp.int64 if jax.config.jax_enable_x64 else jnp.int32)
    pos_u = jax.random.randint(k2, (BATCH,), 0, N_VERTICES, dtype=jnp.int64 if jax.config.jax_enable_x64 else jnp.int32)
    weights = jax.random.uniform(k3, (BATCH,), dtype=jnp.float32)
    table = jax.random.normal(k4, (N_VERTICES, N_DIM), dtype=jnp.float32) * 0.01
    return {"pos_v": pos_v, "pos_u": pos_u, "weights": weights, "table": table}


def reference(pos_v, pos_u, weights, table):
    # emb_v = self.embeding(pos_v); emb_u = self.embeding(pos_u)
    emb_v = jnp.take(table, pos_v, axis=0)
    emb_u = jnp.take(table, pos_u, axis=0)
    # score = sum(emb_u * emb_v, dim=1)
    score = jnp.sum(emb_u * emb_v, axis=1)
    # score = -logsigmoid(score)
    score = -jax.nn.log_sigmoid(score)
    # score = (score * weights).squeeze(); sum
    score = jnp.squeeze(score * weights)
    return jnp.sum(score)

if __name__ == "__main__":
    import jax
    _d = setup_inputs()
    print(jax.jit(kernel)(*tuple(_d.values())))

</pallas_src>

<mosaic_0001>
#map = affine_map<(d0, d1) -> (0, 0)>
#map1 = affine_map<(d0, d1) -> (0)>
module attributes {stable_mosaic.version = 14 : i64} {
  func.func @_emb_body(%arg0: i32, %arg1: i32, %arg2: memref<32x1000000xf32, #tpu.memory_space<hbm>>, %arg3: memref<32x128xf32, #tpu.memory_space<hbm>>, %arg4: memref<16384xi32, #tpu.memory_space<hbm>>, %arg5: memref<16384xi32, #tpu.memory_space<hbm>>, %arg6: memref<32832x128xf32, #tpu.memory_space<hbm>>, %arg7: memref<16384xi32, #tpu.memory_space<vmem>>, %arg8: memref<3x32x1024xf32, #tpu.memory_space<vmem>>, %arg9: memref<2832xi32, #tpu.memory_space<vmem>>, %arg10: memref<2832xi32, #tpu.memory_space<vmem>>, %arg11: memref<2832xi32, #tpu.memory_space<vmem>>, %arg12: memref<2832xi32, #tpu.memory_space<vmem>>, %arg13: memref<2x16x128xf32, #tpu.memory_space<vmem>>, %arg14: memref<!tpu.dma_semaphore, #tpu.memory_space<semaphore_mem>>, %arg15: memref<!tpu.dma_semaphore, #tpu.memory_space<semaphore_mem>>) attributes {dimension_semantics = [#tpu.dimension_semantics<core_parallel>, #tpu.dimension_semantics<subcore_parallel>], iteration_bounds = array<i64: 2, 16>, scalar_prefetch = 0 : i64, scratch_operands = 9 : i64, tpu.core_type = #tpu.core_type<sc_vector_subcore>, window_params = [{transform_indices = #map}, {transform_indices = #map}, {transform_indices = #map1}, {transform_indices = #map1}, {transform_indices = #map}]} {
    %mul3A = arith.constant 2 : i32
    %mul3A_0 = arith.muli %arg1, %mul3A : i32
    %add3A = arith.addi %mul3A_0, %arg0 : i32
    %mul3A_1 = arith.constant 30 : i32
    %mul3A_2 = arith.muli %mul3A_1, %add3A : i32
    %min3A = arith.constant 17 : i32
    %min3A_3 = arith.minsi %add3A, %min3A : i32
    %add3A_4 = arith.addi %mul3A_2, %min3A_3 : i32
    %add3A_5 = arith.constant 1 : i32
    %add3A_6 = arith.addi %add3A, %add3A_5 : i32
    %mul3A_7 = arith.constant 30 : i32
    %mul3A_8 = arith.muli %mul3A_7, %add3A_6 : i32
    %min3A_9 = arith.constant 17 : i32
    %min3A_10 = arith.minsi %add3A_6, %min3A_9 : i32
    %add3A_11 = arith.addi %mul3A_8, %min3A_10 : i32
    %iota3A = tpu.iota {dimensions = array<i32: 0>} : vector<16xi32>
    %while3A = arith.constant 0 : i32
    %while3A_12 = arith.constant 1 : i32
    %while3A_13:2 = scf.while (%while3A_14 = %while3A, %while3A_15 = %while3A_12) : (i32, i32) -> (i32, i32) {
      %mul3A_16 = arith.constant 2816 : i32
      %mul3A_17 = arith.muli %while3A_14, %mul3A_16 : i32
      %lt3A = arith.cmpi slt, %mul3A_17, %while3A_15 : i32
      scf.condition(%lt3A) %while3A_14, %while3A_15 : i32, i32
    } do {
    ^bb0(%while3A_14: i32, %while3A_15: i32):
      %mul3A_16 = arith.constant 2816 : i32
      %mul3A_17 = arith.muli %while3A_14, %mul3A_16 : i32
      "tpu.region"() ({
        %run_scoped3A = tpu.sem_alloc : memref<!tpu.dma_semaphore, #tpu.memory_space<semaphore_mem>>
        tpu.enqueue_dma source(%arg4 : memref<16384xi32, #tpu.memory_space<hbm>>) target(%arg7 : memref<16384xi32, #tpu.memory_space<vmem>>) target_semaphore(%run_scoped3A : memref<!tpu.dma_semaphore, #tpu.memory_space<semaphore_mem>>)
        tpu.wait_dma2 semaphore(%run_scoped3A : memref<!tpu.dma_semaphore, #tpu.memory_space<semaphore_mem>>) src(%arg4 : memref<16384xi32, #tpu.memory_space<hbm>>) dst(%arg7 : memref<16384xi32, #tpu.memory_space<vmem>>)
        tpu.yield
      }) : () -> ()
      %scan3A = arith.constant 0 : i32
      %scan3A_18 = arith.constant 0 : i32
      %scan3A_19 = arith.constant 0 : i32
      %scan3A_20 = arith.constant 1024 : i32
      %scan3A_21 = arith.addi %scan3A_19, %scan3A_20 : i32
      %scan3A_22 = arith.constant 1 : i32
      %scan3A_23:2 = scf.for %scan3A_64 = %scan3A_19 to %scan3A_21 step %scan3A_22 iter_args(%scan3A_65 = %scan3A, %scan3A_66 = %scan3A_18) -> (i32, i32)  : i32 {
        %mul3A_67 = arith.constant 16 : i32
        %mul3A_68 = arith.muli %scan3A_64, %mul3A_67 : i32
        %get3A = arith.index_cast %mul3A_68 : i32 to index
        %get3A_69 = tpu.vector_load %arg7[%get3A] {strides = array<i32>} : memref<16384xi32, #tpu.memory_space<vmem>>, vector<16xi32>,
        %shift_right_logical3A = arith.constant 10 : i32
        %shift_right_logical3A_70 = vector.broadcast %shift_right_logical3A : i32 to vector<16xi32>
        %shift_right_logical3A_71 = arith.shrui %get3A_69, %shift_right_logical3A_70 : vector<16xi32>
        %ge3A = vector.broadcast %add3A_4 : i32 to vector<16xi32>
        %ge3A_72 = arith.cmpi sge, %shift_right_logical3A_71, %ge3A : vector<16xi32>
        %lt3A = vector.broadcast %add3A_11 : i32 to vector<16xi32>
        %lt3A_73 = arith.cmpi slt, %shift_right_logical3A_71, %lt3A : vector<16xi32>
        %and3A_74 = arith.andi %ge3A_72, %lt3A_73 : vector<16xi1>
        %convert_element_type3A_75 = arith.extui %and3A_74 : vector<16xi1> to vector<16xi32>
        %broadcast_in_dim3A = arith.constant true
        %broadcast_in_dim3A_76 = vector.broadcast %broadcast_in_dim3A : i1 to vector<16xi1>
        %masked_cumsum3A = tpu.scan <sum>, %convert_element_type3A_75 masked %broadcast_in_dim3A_76 : vector<16xi32>, vector<16xi1> -> vector<16xi32>
        %slice3A = vector.extract_strided_slice %masked_cumsum3A {offsets = [15], sizes = [1], strides = [1]} : vector<16xi32> to vector<1xi32>
        %squeeze3A = vector.extract %slice3A[0] : i32 from vector<1xi32>
        %add3A_77 = vector.broadcast %scan3A_65 : i32 to vector<16xi32>
        %add3A_78 = arith.addi %add3A_77, %masked_cumsum3A : vector<16xi32>
        %gt3A = vector.broadcast %mul3A_17 : i32 to vector<16xi32>
        %gt3A_79 = arith.cmpi sgt, %add3A_78, %gt3A : vector<16xi32>
        %and3A_80 = arith.andi %and3A_74, %gt3A_79 : vector<16xi1>
        %add3A_81 = arith.constant 2816 : i32
        %add3A_82 = arith.addi %mul3A_17, %add3A_81 : i32
        %le3A = vector.broadcast %add3A_82 : i32 to vector<16xi32>
        %le3A_83 = arith.cmpi sle, %add3A_78, %le3A : vector<16xi32>
        %and3A_84 = arith.andi %and3A_80, %le3A_83 : vector<16xi1>
        %all_reduce_population_count3A = tpu.all_reduce %and3A_84 {dim = 0 : i64, kind = #tpu.reduction_kind<sum>} : vector<16xi1> -> vector<16xi32>
        %slice3A_85 = vector.extract_strided_slice %all_reduce_population_count3A {offsets = [0], sizes = [1], strides = [1]} : vector<16xi32> to vector<1xi32>
        %squeeze3A_86 = vector.extract %slice3A_85[0] : i32 from vector<1xi32>
        %swap3A = arith.index_cast %scan3A_66 : i32 to index
        %swap3A_87 = tpu.vector_load %arg9[%swap3A] masked %and3A_84 {strides = array<i32>} : memref<2832xi32, #tpu.memory_space<vmem>>, vector<16xi32>, vector<16xi1>
        tpu.vector_store %arg9[%swap3A], %get3A_69 masked %and3A_84 {strides = array<i32>} : memref<2832xi32, #tpu.memory_space<vmem>>, vector<16xi32>, vector<16xi1>
        %mul3A_88 = arith.constant 16 : i32
        %mul3A_89 = arith.muli %scan3A_64, %mul3A_88 : i32
        %add3A_90 = arith.constant 0 : i32
        %add3A_91 = arith.addi %add3A_90, %mul3A_89 : i32
        %add3A_92 = vector.broadcast %add3A_91 : i32 to vector<16xi32>
        %add3A_93 = arith.addi %add3A_92, %iota3A : vector<16xi32>
        %swap3A_94 = arith.index_cast %scan3A_66 : i32 to index
        %swap3A_95 = tpu.vector_load %arg10[%swap3A_94] masked %and3A_84 {strides = array<i32>} : memref<2832xi32, #tpu.memory_space<vmem>>, vector<16xi32>, vector<16xi1>
        tpu.vector_store %arg10[%swap3A_94], %add3A_93 masked %and3A_84 {strides = array<i32>} : memref<2832xi32, #tpu.memory_space<vmem>>, vector<16xi32>, vector<16xi1>
        %add3A_96 = arith.addi %scan3A_65, %squeeze3A : i32
        %add3A_97 = arith.addi %scan3A_66, %squeeze3A_86 : i32
        scf.yield %add3A_96, %add3A_97 : i32, i32
      }
      %scan3A_24 = arith.constant 1024 : i32
      "tpu.region"() ({
        %run_scoped3A = tpu.sem_alloc : memref<!tpu.dma_semaphore, #tpu.memory_space<semaphore_mem>>
        tpu.enqueue_dma source(%arg5 : memref<16384xi32, #tpu.memory_space<hbm>>) target(%arg7 : memref<16384xi32, #tpu.memory_space<vmem>>) target_semaphore(%run_scoped3A : memref<!tpu.dma_semaphore, #tpu.memory_space<semaphore_mem>>)
        tpu.wait_dma2 semaphore(%run_scoped3A : memref<!tpu.dma_semaphore, #tpu.memory_space<semaphore_mem>>) src(%arg5 : memref<16384xi32, #tpu.memory_space<hbm>>) dst(%arg7 : memref<16384xi32, #tpu.memory_space<vmem>>)
        tpu.yield
      }) : () -> ()
      %scan3A_25 = arith.constant 0 : i32
      %scan3A_26 = arith.constant 1024 : i32
      %scan3A_27 = arith.addi %scan3A_25, %scan3A_26 : i32
      %scan3A_28 = arith.constant 1 : i32
      %scan3A_29:2 = scf.for %scan3A_64 = %scan3A_25 to %scan3A_27 step %scan3A_28 iter_args(%scan3A_65 = %scan3A_23#0, %scan3A_66 = %scan3A_23#1) -> (i32, i32)  : i32 {
        %mul3A_67 = arith.constant 16 : i32
        %mul3A_68 = arith.muli %scan3A_64, %mul3A_67 : i32
        %get3A = arith.index_cast %mul3A_68 : i32 to index
        %get3A_69 = tpu.vector_load %arg7[%get3A] {strides = array<i32>} : memref<16384xi32, #tpu.memory_space<vmem>>, vector<16xi32>,
        %shift_right_logical3A = arith.constant 10 : i32
        %shift_right_logical3A_70 = vector.broadcast %shift_right_logical3A : i32 to vector<16xi32>
        %shift_right_logical3A_71 = arith.shrui %get3A_69, %shift_right_logical3A_70 : vector<16xi32>
        %ge3A = vector.broadcast %add3A_4 : i32 to vector<16xi32>
        %ge3A_72 = arith.cmpi sge, %shift_right_logical3A_71, %ge3A : vector<16xi32>
        %lt3A = vector.broadcast %add3A_11 : i32 to vector<16xi32>
        %lt3A_73 = arith.cmpi slt, %shift_right_logical3A_71, %lt3A : vector<16xi32>
        %and3A_74 = arith.andi %ge3A_72, %lt3A_73 : vector<16xi1>
        %convert_element_type3A_75 = arith.extui %and3A_74 : vector<16xi1> to vector<16xi32>
        %broadcast_in_dim3A = arith.constant true
        %broadcast_in_dim3A_76 = vector.broadcast %broadcast_in_dim3A : i1 to vector<16xi1>
        %masked_cumsum3A = tpu.scan <sum>, %convert_element_type3A_75 masked %broadcast_in_dim3A_76 : vector<16xi32>, vector<16xi1> -> vector<16xi32>
        %slice3A = vector.extract_strided_slice %masked_cumsum3A {offsets = [15], sizes = [1], strides = [1]} : vector<16xi32> to vector<1xi32>
        %squeeze3A = vector.extract %slice3A[0] : i32 from vector<1xi32>
        %add3A_77 = vector.broadcast %scan3A_65 : i32 to vector<16xi32>
        %add3A_78 = arith.addi %add3A_77, %masked_cumsum3A : vector<16xi32>
        %gt3A = vector.broadcast %mul3A_17 : i32 to vector<16xi32>
        %gt3A_79 = arith.cmpi sgt, %add3A_78, %gt3A : vector<16xi32>
        %and3A_80 = arith.andi %and3A_74, %gt3A_79 : vector<16xi1>
        %add3A_81 = arith.constant 2816 : i32
        %add3A_82 = arith.addi %mul3A_17, %add3A_81 : i32
        %le3A = vector.broadcast %add3A_82 : i32 to vector<16xi32>
        %le3A_83 = arith.cmpi sle, %add3A_78, %le3A : vector<16xi32>
        %and3A_84 = arith.andi %and3A_80, %le3A_83 : vector<16xi1>
        %all_reduce_population_count3A = tpu.all_reduce %and3A_84 {dim = 0 : i64, kind = #tpu.reduction_kind<sum>} : vector<16xi1> -> vector<16xi32>
        %slice3A_85 = vector.extract_strided_slice %all_reduce_population_count3A {offsets = [0], sizes = [1], strides = [1]} : vector<16xi32> to vector<1xi32>
        %squeeze3A_86 = vector.extract %slice3A_85[0] : i32 from vector<1xi32>
        %swap3A = arith.index_cast %scan3A_66 : i32 to index
        %swap3A_87 = tpu.vector_load %arg9[%swap3A] masked %and3A_84 {strides = array<i32>} : memref<2832xi32, #tpu.memory_space<vmem>>, vector<16xi32>, vector<16xi1>
        tpu.vector_store %arg9[%swap3A], %get3A_69 masked %and3A_84 {strides = array<i32>} : memref<2832xi32, #tpu.memory_space<vmem>>, vector<16xi32>, vector<16xi1>
        %mul3A_88 = arith.constant 16 : i32
        %mul3A_89 = arith.muli %scan3A_64, %mul3A_88 : i32
        %add3A_90 = arith.constant 16416 : i32
        %add3A_91 = arith.addi %add3A_90, %mul3A_89 : i32
        %add3A_92 = vector.broadcast %add3A_91 : i32 to vector<16xi32>
        %add3A_93 = arith.addi %add3A_92, %iota3A : vector<16xi32>
        %swap3A_94 = arith.index_cast %scan3A_66 : i32 to index
        %swap3A_95 = tpu.vector_load %arg10[%swap3A_94] masked %and3A_84 {strides = array<i32>} : memref<2832xi32, #tpu.memory_space<vmem>>, vector<16xi32>, vector<16xi1>
        tpu.vector_store %arg10[%swap3A_94], %add3A_93 masked %and3A_84 {strides = array<i32>} : memref<2832xi32, #tpu.memory_space<vmem>>, vector<16xi32>, vector<16xi1>
        %add3A_96 = arith.addi %scan3A_65, %squeeze3A : i32
        %add3A_97 = arith.addi %scan3A_66, %squeeze3A_86 : i32
        scf.yield %add3A_96, %add3A_97 : i32, i32
      }
      %scan3A_30 = arith.constant 1024 : i32
      %ne3A = arith.constant 976 : i32
      %ne3A_31 = arith.cmpi ne, %add3A_4, %ne3A : i32
      %and3A = arith.constant true
      %and3A_32 = arith.andi %and3A, %ne3A_31 : i1
      %convert_element_type3A = arith.extui %and3A_32 : i1 to i32
      %cond3A = arith.constant 0 : i32
      %cond3A_33 = arith.cmpi ne, %convert_element_type3A, %cond3A : i32
      scf.if %cond3A_33 {
        %mul3A_64 = arith.constant 1024 : i32
        %mul3A_65 = arith.muli %add3A_4, %mul3A_64 : i32
        %dma_start3A = arith.constant 0 : i32
        %dma_start3A_66 = arith.constant 0 : i32
        %dma_start3A_67 = arith.constant 0 : i32
        %dma_start3A_68 = tpu.memref_slice %arg8[%dma_start3A, %dma_start3A_66, %dma_start3A_67] : memref<3x32x1024xf32, #tpu.memory_space<vmem>> -> memref<1x32x1024xf32, #tpu.memory_space<vmem>>
        %dma_start3A_69 = tpu.memref_squeeze %dma_start3A_68 : memref<1x32x1024xf32, #tpu.memory_space<vmem>> -> memref<32x1024xf32, #tpu.memory_space<vmem>>
        %dma_start3A_70 = arith.constant 0 : i32
        %dma_start3A_71 = tpu.memref_slice %arg2[%dma_start3A_70, %mul3A_65] : memref<32x1000000xf32, #tpu.memory_space<hbm>> -> memref<32x1024xf32, #tpu.memory_space<hbm>>
        %dma_start3A_72 = arith.constant 0 : i32
        %dma_start3A_73 = arith.constant 0 : i32
        %dma_start3A_74 = tpu.memref_slice %arg8[%dma_start3A, %dma_start3A_72, %dma_start3A_73] : memref<3x32x1024xf32, #tpu.memory_space<vmem>> -> memref<1x32x1024xf32, #tpu.memory_space<vmem>>
        %dma_start3A_75 = tpu.memref_squeeze %dma_start3A_74 : memref<1x32x1024xf32, #tpu.memory_space<vmem>> -> memref<32x1024xf32, #tpu.memory_space<vmem>>
        %dma_start3A_76 = arith.constant 0 : i32
        %dma_start3A_77 = tpu.memref_slice %arg2[%dma_start3A_76, %mul3A_65] : memref<32x1000000xf32, #tpu.memory_space<hbm>> -> memref<32x1024xf32, #tpu.memory_space<hbm>>
        tpu.enqueue_dma source(%dma_start3A_77 : memref<32x1024xf32, #tpu.memory_space<hbm>>) target(%dma_start3A_75 : memref<32x1024xf32, #tpu.memory_space<vmem>>) target_semaphore(%arg14 : memref<!tpu.dma_semaphore, #tpu.memory_space<semaphore_mem>>)
      } else {
      }
      %eq3A = arith.constant 976 : i32
      %eq3A_34 = arith.cmpi eq, %add3A_4, %eq3A : i32
      %and3A_35 = arith.constant true
      %and3A_36 = arith.andi %and3A_35, %eq3A_34 : i1
      %convert_element_type3A_37 = arith.extui %and3A_36 : i1 to i32
      %cond3A_38 = arith.constant 0 : i32
      %cond3A_39 = arith.cmpi ne, %convert_element_type3A_37, %cond3A_38 : i32
      scf.if %cond3A_39 {
        %dma_start3A = arith.constant 0 : i32
        %dma_start3A_64 = arith.constant 0 : i32
        %dma_start3A_65 = arith.constant 0 : i32
        %dma_start3A_66 = tpu.memref_slice %arg8[%dma_start3A, %dma_start3A_64, %dma_start3A_65] : memref<3x32x1024xf32, #tpu.memory_space<vmem>> -> memref<1x32x512xf32, #tpu.memory_space<vmem>>
        %dma_start3A_67 = tpu.memref_squeeze %dma_start3A_66 : memref<1x32x512xf32, #tpu.memory_space<vmem>> -> memref<32x512xf32, #tpu.memory_space<vmem>>
        %dma_start3A_68 = arith.constant 0 : i32
        %dma_start3A_69 = arith.constant 999424 : i32
        %dma_start3A_70 = tpu.memref_slice %arg2[%dma_start3A_68, %dma_start3A_69] : memref<32x1000000xf32, #tpu.memory_space<hbm>> -> memref<32x512xf32, #tpu.memory_space<hbm>>
        %dma_start3A_71 = arith.constant 0 : i32
        %dma_start3A_72 = arith.constant 0 : i32
        %dma_start3A_73 = tpu.memref_slice %arg8[%dma_start3A, %dma_start3A_71, %dma_start3A_72] : memref<3x32x1024xf32, #tpu.memory_space<vmem>> -> memref<1x32x512xf32, #tpu.memory_space<vmem>>
        %dma_start3A_74 = tpu.memref_squeeze %dma_start3A_73 : memref<1x32x512xf32, #tpu.memory_space<vmem>> -> memref<32x512xf32, #tpu.memory_space<vmem>>
        %dma_start3A_75 = arith.constant 0 : i32
        %dma_start3A_76 = arith.constant 999424 : i32
        %dma_start3A_77 = tpu.memref_slice %arg2[%dma_start3A_75, %dma_start3A_76] : memref<32x1000000xf32, #tpu.memory_space<hbm>> -> memref<32x512xf32, #tpu.memory_space<hbm>>
        tpu.enqueue_dma source(%dma_start3A_77 : memref<32x512xf32, #tpu.memory_space<hbm>>) target(%dma_start3A_74 : memref<32x512xf32, #tpu.memory_space<vmem>>) target_semaphore(%arg14 : memref<!tpu.dma_semaphore, #tpu.memory_space<semaphore_mem>>)
      } else {
      }
      %add3A_40 = arith.constant 1 : i32
      %add3A_41 = arith.addi %add3A_4, %add3A_40 : i32
      %ne3A_42 = arith.constant 976 : i32
      %ne3A_43 = arith.cmpi ne, %add3A_41, %ne3A_42 : i32
      %and3A_44 = arith.constant true
      %and3A_45 = arith.andi %and3A_44, %ne3A_43 : i1
      %convert_element_type3A_46 = arith.extui %and3A_45 : i1 to i32
      %cond3A_47 = arith.constant 0 : i32
      %cond3A_48 = arith.cmpi ne, %convert_element_type3A_46, %cond3A_47 : i32
      scf.if %cond3A_48 {
        %mul3A_64 = arith.constant 1024 : i32
        %mul3A_65 = arith.muli %add3A_41, %mul3A_64 : i32
        %dma_start3A = arith.constant 1 : i32
        %dma_start3A_66 = arith.constant 0 : i32
        %dma_start3A_67 = arith.constant 0 : i32
        %dma_start3A_68 = tpu.memref_slice %arg8[%dma_start3A, %dma_start3A_66, %dma_start3A_67] : memref<3x32x1024xf32, #tpu.memory_space<vmem>> -> memref<1x32x1024xf32, #tpu.memory_space<vmem>>
        %dma_start3A_69 = tpu.memref_squeeze %dma_start3A_68 : memref<1x32x1024xf32, #tpu.memory_space<vmem>> -> memref<32x1024xf32, #tpu.memory_space<vmem>>
        %dma_start3A_70 = arith.constant 0 : i32
        %dma_start3A_71 = tpu.memref_slice %arg2[%dma_start3A_70, %mul3A_65] : memref<32x1000000xf32, #tpu.memory_space<hbm>> -> memref<32x1024xf32, #tpu.memory_space<hbm>>
        %dma_start3A_72 = arith.constant 0 : i32
        %dma_start3A_73 = arith.constant 0 : i32
        %dma_start3A_74 = tpu.memref_slice %arg8[%dma_start3A, %dma_start3A_72, %dma_start3A_73] : memref<3x32x1024xf32, #tpu.memory_space<vmem>> -> memref<1x32x1024xf32, #tpu.memory_space<vmem>>
        %dma_start3A_75 = tpu.memref_squeeze %dma_start3A_74 : memref<1x32x1024xf32, #tpu.memory_space<vmem>> -> memref<32x1024xf32, #tpu.memory_space<vmem>>
        %dma_start3A_76 = arith.constant 0 : i32
        %dma_start3A_77 = tpu.memref_slice %arg2[%dma_start3A_76, %mul3A_65] : memref<32x1000000xf32, #tpu.memory_space<hbm>> -> memref<32x1024xf32, #tpu.memory_space<hbm>>
        tpu.enqueue_dma source(%dma_start3A_77 : memref<32x1024xf32, #tpu.memory_space<hbm>>) target(%dma_start3A_75 : memref<32x1024xf32, #tpu.memory_space<vmem>>) target_semaphore(%arg14 : memref<!tpu.dma_semaphore, #tpu.memory_space<semaphore_mem>>)
      } else {
      }
      %eq3A_49 = arith.constant 976 : i32
      %eq3A_50 = arith.cmpi eq, %add3A_41, %eq3A_49 : i32
      %and3A_51 = arith.constant true
      %and3A_52 = arith.andi %and3A_51, %eq3A_50 : i1
      %convert_element_type3A_53 = arith.extui %and3A_52 : i1 to i32
      %cond3A_54 = arith.constant 0 : i32
      %cond3A_55 = arith.cmpi ne, %convert_element_type3A_53, %cond3A_54 : i32
      scf.if %cond3A_55 {
        %dma_start3A = arith.constant 1 : i32
        %dma_start3A_64 = arith.constant 0 : i32
        %dma_start3A_65 = arith.constant 0 : i32
        %dma_start3A_66 = tpu.memref_slice %arg8[%dma_start3A, %dma_start3A_64, %dma_start3A_65] : memref<3x32x1024xf32, #tpu.memory_space<vmem>> -> memref<1x32x512xf32, #tpu.memory_space<vmem>>
        %dma_start3A_67 = tpu.memref_squeeze %dma_start3A_66 : memref<1x32x512xf32, #tpu.memory_space<vmem>> -> memref<32x512xf32, #tpu.memory_space<vmem>>
        %dma_start3A_68 = arith.constant 0 : i32
        %dma_start3A_69 = arith.constant 999424 : i32
        %dma_start3A_70 = tpu.memref_slice %arg2[%dma_start3A_68, %dma_start3A_69] : memref<32x1000000xf32, #tpu.memory_space<hbm>> -> memref<32x512xf32, #tpu.memory_space<hbm>>
        %dma_start3A_71 = arith.constant 0 : i32
        %dma_start3A_72 = arith.constant 0 : i32
        %dma_start3A_73 = tpu.memref_slice %arg8[%dma_start3A, %dma_start3A_71, %dma_start3A_72] : memref<3x32x1024xf32, #tpu.memory_space<vmem>> -> memref<1x32x512xf32, #tpu.memory_space<vmem>>
        %dma_start3A_74 = tpu.memref_squeeze %dma_start3A_73 : memref<1x32x512xf32, #tpu.memory_space<vmem>> -> memref<32x512xf32, #tpu.memory_space<vmem>>
        %dma_start3A_75 = arith.constant 0 : i32
        %dma_start3A_76 = arith.constant 999424 : i32
        %dma_start3A_77 = tpu.memref_slice %arg2[%dma_start3A_75, %dma_start3A_76] : memref<32x1000000xf32, #tpu.memory_space<hbm>> -> memref<32x512xf32, #tpu.memory_space<hbm>>
        tpu.enqueue_dma source(%dma_start3A_77 : memref<32x512xf32, #tpu.memory_space<hbm>>) target(%dma_start3A_74 : memref<32x512xf32, #tpu.memory_space<vmem>>) target_semaphore(%arg14 : memref<!tpu.dma_semaphore, #tpu.memory_space<semaphore_mem>>)
      } else {
      }
      %scan3A_56 = arith.constant 0 : i32
      %scan3A_57 = arith.constant 0 : i32
      %scan3A_58 = arith.constant 31 : i32
      %scan3A_59 = arith.addi %scan3A_57, %scan3A_58 : i32
      %scan3A_60 = arith.constant 1 : i32
      scf.for %scan3A_64 = %scan3A_57 to %scan3A_59 step %scan3A_60  : i32 {
        %add3A_65 = arith.addi %add3A_4, %scan3A_64 : i32
        %lt3A = arith.cmpi slt, %add3A_65, %add3A_11 : i32
        %jit3A = arith.constant 3 : i32
        %eq3A_66 = arith.constant 0 : i32
        %eq3A_67 = arith.cmpi eq, %jit3A, %eq3A_66 : i32
        %jit3A_68 = arith.constant 1 : i32
        %select_n3A = arith.select %eq3A_67, %jit3A_68, %jit3A : i32
        %rem3A = arith.remsi %scan3A_64, %select_n3A : i32
        %ne3A_69 = arith.constant 0 : i32
        %ne3A_70 = arith.cmpi ne, %rem3A, %ne3A_69 : i32
        %lt3A_71 = arith.constant 0 : i32
        %lt3A_72 = arith.cmpi slt, %rem3A, %lt3A_71 : i32
        %lt3A_73 = arith.constant 0 : i32
        %lt3A_74 = arith.cmpi slt, %select_n3A, %lt3A_73 : i32
        %ne3A_75 = arith.xori %lt3A_72, %lt3A_74 : i1
        %and3A_76 = arith.andi %ne3A_75, %ne3A_70 : i1
        %add3A_77 = arith.addi %rem3A, %select_n3A : i32
        %select_n3A_78 = arith.select %and3A_76, %add3A_77, %rem3A : i32
        %ne3A_79 = arith.constant 976 : i32
        %ne3A_80 = arith.cmpi ne, %add3A_65, %ne3A_79 : i32
        %and3A_81 = arith.andi %lt3A, %ne3A_80 : i1
        %convert_element_type3A_82 = arith.extui %and3A_81 : i1 to i32
        %cond3A_83 = arith.constant 0 : i32
        %cond3A_84 = arith.cmpi ne, %convert_element_type3A_82, %cond3A_83 : i32
        scf.if %cond3A_84 {
          %dma_wait3A = arith.constant 0 : i32
          %dma_wait3A_213 = arith.constant 0 : i32
          %dma_wait3A_214 = tpu.memref_slice %arg8[%select_n3A_78, %dma_wait3A, %dma_wait3A_213] : memref<3x32x1024xf32, #tpu.memory_space<vmem>> -> memref<1x32x1024xf32, #tpu.memory_space<vmem>>
          %dma_wait3A_215 = tpu.memref_squeeze %dma_wait3A_214 : memref<1x32x1024xf32, #tpu.memory_space<vmem>> -> memref<32x1024xf32, #tpu.memory_space<vmem>>
          %dma_wait3A_216 = arith.constant 0 : i32
          %dma_wait3A_217 = arith.constant 0 : i32
          %dma_wait3A_218 = tpu.memref_slice %arg2[%dma_wait3A_216, %dma_wait3A_217] : memref<32x1000000xf32, #tpu.memory_space<hbm>> -> memref<32x1024xf32, #tpu.memory_space<hbm>>
          %dma_wait3A_219 = arith.constant 0 : i32
          %dma_wait3A_220 = arith.constant 0 : i32
          %dma_wait3A_221 = tpu.memref_slice %arg8[%select_n3A_78, %dma_wait3A_219, %dma_wait3A_220] : memref<3x32x1024xf32, #tpu.memory_space<vmem>> -> memref<1x32x1024xf32, #tpu.memory_space<vmem>>
          %dma_wait3A_222 = tpu.memref_squeeze %dma_wait3A_221 : memref<1x32x1024xf32, #tpu.memory_space<vmem>> -> memref<32x1024xf32, #tpu.memory_space<vmem>>
          %dma_wait3A_223 = arith.constant 0 : i32
          %dma_wait3A_224 = arith.constant 0 : i32
          %dma_wait3A_225 = tpu.memref_slice %arg2[%dma_wait3A_223, %dma_wait3A_224] : memref<32x1000000xf32, #tpu.memory_space<hbm>> -> memref<32x1024xf32, #tpu.memory_space<hbm>>
          tpu.wait_dma2 semaphore(%arg14 : memref<!tpu.dma_semaphore, #tpu.memory_space<semaphore_mem>>) src(%dma_wait3A_225 : memref<32x1024xf32, #tpu.memory_space<hbm>>) dst(%dma_wait3A_222 : memref<32x1024xf32, #tpu.memory_space<vmem>>)
        } else {
        }
        %eq3A_85 = arith.constant 976 : i32
        %eq3A_86 = arith.cmpi eq, %add3A_65, %eq3A_85 : i32
        %and3A_87 = arith.andi %lt3A, %eq3A_86 : i1
        %convert_element_type3A_88 = arith.extui %and3A_87 : i1 to i32
        %cond3A_89 = arith.constant 0 : i32
        %cond3A_90 = arith.cmpi ne, %convert_element_type3A_88, %cond3A_89 : i32
        scf.if %cond3A_90 {
          %dma_wait3A = arith.constant 0 : i32
          %dma_wait3A_213 = arith.constant 0 : i32
          %dma_wait3A_214 = tpu.memref_slice %arg8[%select_n3A_78, %dma_wait3A, %dma_wait3A_213] : memref<3x32x1024xf32, #tpu.memory_space<vmem>> -> memref<1x32x512xf32, #tpu.memory_space<vmem>>
          %dma_wait3A_215 = tpu.memref_squeeze %dma_wait3A_214 : memref<1x32x512xf32, #tpu.memory_space<vmem>> -> memref<32x512xf32, #tpu.memory_space<vmem>>
          %dma_wait3A_216 = arith.constant 0 : i32
          %dma_wait3A_217 = arith.constant 0 : i32
          %dma_wait3A_218 = tpu.memref_slice %arg2[%dma_wait3A_216, %dma_wait3A_217] : memref<32x1000000xf32, #tpu.memory_space<hbm>> -> memref<32x512xf32, #tpu.memory_space<hbm>>
          %dma_wait3A_219 = arith.constant 0 : i32
          %dma_wait3A_220 = arith.constant 0 : i32
          %dma_wait3A_221 = tpu.memref_slice %arg8[%select_n3A_78, %dma_wait3A_219, %dma_wait3A_220] : memref<3x32x1024xf32, #tpu.memory_space<vmem>> -> memref<1x32x512xf32, #tpu.memory_space<vmem>>
          %dma_wait3A_222 = tpu.memref_squeeze %dma_wait3A_221 : memref<1x32x512xf32, #tpu.memory_space<vmem>> -> memref<32x512xf32, #tpu.memory_space<vmem>>
          %dma_wait3A_223 = arith.constant 0 : i32
          %dma_wait3A_224 = arith.constant 0 : i32
          %dma_wait3A_225 = tpu.memref_slice %arg2[%dma_wait3A_223, %dma_wait3A_224] : memref<32x1000000xf32, #tpu.memory_space<hbm>> -> memref<32x512xf32, #tpu.memory_space<hbm>>
          tpu.wait_dma2 semaphore(%arg14 : memref<!tpu.dma_semaphore, #tpu.memory_space<semaphore_mem>>) src(%dma_wait3A_225 : memref<32x512xf32, #tpu.memory_space<hbm>>) dst(%dma_wait3A_222 : memref<32x512xf32, #tpu.memory_space<vmem>>)
          "tpu.region"() ({
            %run_scoped3A = tpu.sem_alloc : memref<!tpu.dma_semaphore, #tpu.memory_space<semaphore_mem>>
            %dma_start3A = arith.constant 0 : i32
            %dma_start3A_226 = arith.constant 512 : i32
            %dma_start3A_227 = tpu.memref_slice %arg8[%select_n3A_78, %dma_start3A, %dma_start3A_226] : memref<3x32x1024xf32, #tpu.memory_space<vmem>> -> memref<1x32x128xf32, #tpu.memory_space<vmem>>
            %dma_start3A_228 = tpu.memref_squeeze %dma_start3A_227 : memref<1x32x128xf32, #tpu.memory_space<vmem>> -> memref<32x128xf32, #tpu.memory_space<vmem>>
            %dma_start3A_229 = arith.constant 0 : i32
            %dma_start3A_230 = arith.constant 512 : i32
            %dma_start3A_231 = tpu.memref_slice %arg8[%select_n3A_78, %dma_start3A_229, %dma_start3A_230] : memref<3x32x1024xf32, #tpu.memory_space<vmem>> -> memref<1x32x128xf32, #tpu.memory_space<vmem>>
            %dma_start3A_232 = tpu.memref_squeeze %dma_start3A_231 : memref<1x32x128xf32, #tpu.memory_space<vmem>> -> memref<32x128xf32, #tpu.memory_space<vmem>>
            tpu.enqueue_dma source(%arg3 : memref<32x128xf32, #tpu.memory_space<hbm>>) target(%dma_start3A_232 : memref<32x128xf32, #tpu.memory_space<vmem>>) target_semaphore(%run_scoped3A : memref<!tpu.dma_semaphore, #tpu.memory_space<semaphore_mem>>)
            %dma_wait3A_233 = arith.constant 0 : i32
            %dma_wait3A_234 = arith.constant 512 : i32
            %dma_wait3A_235 = tpu.memref_slice %arg8[%select_n3A_78, %dma_wait3A_233, %dma_wait3A_234] : memref<3x32x1024xf32, #tpu.memory_space<vmem>> -> memref<1x32x128xf32, #tpu.memory_space<vmem>>
            %dma_wait3A_236 = tpu.memref_squeeze %dma_wait3A_235 : memref<1x32x128xf32, #tpu.memory_space<vmem>> -> memref<32x128xf32, #tpu.memory_space<vmem>>
            %dma_wait3A_237 = arith.constant 0 : i32
            %dma_wait3A_238 = arith.constant 512 : i32
            %dma_wait3A_239 = tpu.memref_slice %arg8[%select_n3A_78, %dma_wait3A_237, %dma_wait3A_238] : memref<3x32x1024xf32, #tpu.memory_space<vmem>> -> memref<1x32x128xf32, #tpu.memory_space<vmem>>
            %dma_wait3A_240 = tpu.memref_squeeze %dma_wait3A_239 : memref<1x32x128xf32, #tpu.memory_space<vmem>> -> memref<32x128xf32, #tpu.memory_space<vmem>>
            tpu.wait_dma2 semaphore(%run_scoped3A : memref<!tpu.dma_semaphore, #tpu.memory_space<semaphore_mem>>) src(%arg3 : memref<32x128xf32, #tpu.memory_space<hbm>>) dst(%dma_wait3A_240 : memref<32x128xf32, #tpu.memory_space<vmem>>)
            tpu.yield
          }) : () -> ()
        } else {
        }
        %add3A_91 = arith.constant 2 : i32
        %add3A_92 = arith.addi %add3A_65, %add3A_91 : i32
        %add3A_93 = arith.constant 2 : i32
        %add3A_94 = arith.addi %scan3A_64, %add3A_93 : i32
        %jit3A_95 = arith.constant 3 : i32
        %eq3A_96 = arith.constant 0 : i32
        %eq3A_97 = arith.cmpi eq, %jit3A_95, %eq3A_96 : i32
        %jit3A_98 = arith.constant 1 : i32
        %select_n3A_99 = arith.select %eq3A_97, %jit3A_98, %jit3A_95 : i32
        %rem3A_100 = arith.remsi %add3A_94, %select_n3A_99 : i32
        %ne3A_101 = arith.constant 0 : i32
        %ne3A_102 = arith.cmpi ne, %rem3A_100, %ne3A_101 : i32
        %lt3A_103 = arith.constant 0 : i32
        %lt3A_104 = arith.cmpi slt, %rem3A_100, %lt3A_103 : i32
        %lt3A_105 = arith.constant 0 : i32
        %lt3A_106 = arith.cmpi slt, %select_n3A_99, %lt3A_105 : i32
        %ne3A_107 = arith.xori %lt3A_104, %lt3A_106 : i1
        %and3A_108 = arith.andi %ne3A_107, %ne3A_102 : i1
        %add3A_109 = arith.addi %rem3A_100, %select_n3A_99 : i32
        %select_n3A_110 = arith.select %and3A_108, %add3A_109, %rem3A_100 : i32
        %add3A_111 = arith.constant 2 : i32
        %add3A_112 = arith.addi %add3A_65, %add3A_111 : i32
        %lt3A_113 = arith.cmpi slt, %add3A_112, %add3A_11 : i32
        %ne3A_114 = arith.constant 976 : i32
        %ne3A_115 = arith.cmpi ne, %add3A_92, %ne3A_114 : i32
        %and3A_116 = arith.andi %lt3A_113, %ne3A_115 : i1
        %convert_element_type3A_117 = arith.extui %and3A_116 : i1 to i32
        %cond3A_118 = arith.constant 0 : i32
        %cond3A_119 = arith.cmpi ne, %convert_element_type3A_117, %cond3A_118 : i32
        scf.if %cond3A_119 {
          %mul3A_213 = arith.constant 1024 : i32
          %mul3A_214 = arith.muli %add3A_92, %mul3A_213 : i32
          %dma_start3A = arith.constant 0 : i32
          %dma_start3A_215 = arith.constant 0 : i32
          %dma_start3A_216 = tpu.memref_slice %arg8[%select_n3A_110, %dma_start3A, %dma_start3A_215] : memref<3x32x1024xf32, #tpu.memory_space<vmem>> -> memref<1x32x1024xf32, #tpu.memory_space<vmem>>
          %dma_start3A_217 = tpu.memref_squeeze %dma_start3A_216 : memref<1x32x1024xf32, #tpu.memory_space<vmem>> -> memref<32x1024xf32, #tpu.memory_space<vmem>>
          %dma_start3A_218 = arith.constant 0 : i32
          %dma_start3A_219 = tpu.memref_slice %arg2[%dma_start3A_218, %mul3A_214] : memref<32x1000000xf32, #tpu.memory_space<hbm>> -> memref<32x1024xf32, #tpu.memory_space<hbm>>
          %dma_start3A_220 = arith.constant 0 : i32
          %dma_start3A_221 = arith.constant 0 : i32
          %dma_start3A_222 = tpu.memref_slice %arg8[%select_n3A_110, %dma_start3A_220, %dma_start3A_221] : memref<3x32x1024xf32, #tpu.memory_space<vmem>> -> memref<1x32x1024xf32, #tpu.memory_space<vmem>>
          %dma_start3A_223 = tpu.memref_squeeze %dma_start3A_222 : memref<1x32x1024xf32, #tpu.memory_space<vmem>> -> memref<32x1024xf32, #tpu.memory_space<vmem>>
          %dma_start3A_224 = arith.constant 0 : i32
          %dma_start3A_225 = tpu.memref_slice %arg2[%dma_start3A_224, %mul3A_214] : memref<32x1000000xf32, #tpu.memory_space<hbm>> -> memref<32x1024xf32, #tpu.memory_space<hbm>>
          tpu.enqueue_dma source(%dma_start3A_225 : memref<32x1024xf32, #tpu.memory_space<hbm>>) target(%dma_start3A_223 : memref<32x1024xf32, #tpu.memory_space<vmem>>) target_semaphore(%arg14 : memref<!tpu.dma_semaphore, #tpu.memory_space<semaphore_mem>>)
        } else {
        }
        %eq3A_120 = arith.constant 976 : i32
        %eq3A_121 = arith.cmpi eq, %add3A_92, %eq3A_120 : i32
        %and3A_122 = arith.andi %lt3A_113, %eq3A_121 : i1
        %convert_element_type3A_123 = arith.extui %and3A_122 : i1 to i32
        %cond3A_124 = arith.constant 0 : i32
        %cond3A_125 = arith.cmpi ne, %convert_element_type3A_123, %cond3A_124 : i32
        scf.if %cond3A_125 {
          %dma_start3A = arith.constant 0 : i32
          %dma_start3A_213 = arith.constant 0 : i32
          %dma_start3A_214 = tpu.memref_slice %arg8[%select_n3A_110, %dma_start3A, %dma_start3A_213] : memref<3x32x1024xf32, #tpu.memory_space<vmem>> -> memref<1x32x512xf32, #tpu.memory_space<vmem>>
          %dma_start3A_215 = tpu.memref_squeeze %dma_start3A_214 : memref<1x32x512xf32, #tpu.memory_space<vmem>> -> memref<32x512xf32, #tpu.memory_space<vmem>>
          %dma_start3A_216 = arith.constant 0 : i32
          %dma_start3A_217 = arith.constant 999424 : i32
          %dma_start3A_218 = tpu.memref_slice %arg2[%dma_start3A_216, %dma_start3A_217] : memref<32x1000000xf32, #tpu.memory_space<hbm>> -> memref<32x512xf32, #tpu.memory_space<hbm>>
          %dma_start3A_219 = arith.constant 0 : i32
          %dma_start3A_220 = arith.constant 0 : i32
          %dma_start3A_221 = tpu.memref_slice %arg8[%select_n3A_110, %dma_start3A_219, %dma_start3A_220] : memref<3x32x1024xf32, #tpu.memory_space<vmem>> -> memref<1x32x512xf32, #tpu.memory_space<vmem>>
          %dma_start3A_222 = tpu.memref_squeeze %dma_start3A_221 : memref<1x32x512xf32, #tpu.memory_space<vmem>> -> memref<32x512xf32, #tpu.memory_space<vmem>>
          %dma_start3A_223 = arith.constant 0 : i32
          %dma_start3A_224 = arith.constant 999424 : i32
          %dma_start3A_225 = tpu.memref_slice %arg2[%dma_start3A_223, %dma_start3A_224] : memref<32x1000000xf32, #tpu.memory_space<hbm>> -> memref<32x512xf32, #tpu.memory_space<hbm>>
          tpu.enqueue_dma source(%dma_start3A_225 : memref<32x512xf32, #tpu.memory_space<hbm>>) target(%dma_start3A_222 : memref<32x512xf32, #tpu.memory_space<vmem>>) target_semaphore(%arg14 : memref<!tpu.dma_semaphore, #tpu.memory_space<semaphore_mem>>)
        } else {
        }
        %add3A_126 = arith.constant 16 : i32
        %add3A_127 = arith.addi %scan3A_29#1, %add3A_126 : i32
        %sub3A = arith.constant 1 : i32
        %sub3A_128 = arith.subi %add3A_127, %sub3A : i32
        %jit3A_129 = arith.constant 16 : i32
        %div3A = arith.divsi %sub3A_128, %jit3A_129 : i32
        %sign3A = arith.constant 0 : i32
        %sign3A_130 = arith.cmpi sgt, %sub3A_128, %sign3A : i32
        %sign3A_131 = arith.extui %sign3A_130 : i1 to i32
        %sign3A_132 = arith.constant 0 : i32
        %sign3A_133 = arith.cmpi slt, %sub3A_128, %sign3A_132 : i32
        %sign3A_134 = arith.extui %sign3A_133 : i1 to i32
        %sign3A_135 = arith.subi %sign3A_131, %sign3A_134 : i32
        %sign3A_136 = arith.constant 0 : i32
        %sign3A_137 = arith.cmpi sgt, %jit3A_129, %sign3A_136 : i32
        %sign3A_138 = arith.extui %sign3A_137 : i1 to i32
        %sign3A_139 = arith.constant 0 : i32
        %sign3A_140 = arith.cmpi slt, %jit3A_129, %sign3A_139 : i32
        %sign3A_141 = arith.extui %sign3A_140 : i1 to i32
        %sign3A_142 = arith.subi %sign3A_138, %sign3A_141 : i32
        %ne3A_143 = arith.cmpi ne, %sign3A_135, %sign3A_142 : i32
        %rem3A_144 = arith.remsi %sub3A_128, %jit3A_129 : i32
        %ne3A_145 = arith.constant 0 : i32
        %ne3A_146 = arith.cmpi ne, %rem3A_144, %ne3A_145 : i32
        %and3A_147 = arith.andi %ne3A_143, %ne3A_146 : i1
        %sub3A_148 = arith.constant 1 : i32
        %sub3A_149 = arith.subi %div3A, %sub3A_148 : i32
        %select_n3A_150 = arith.select %and3A_147, %sub3A_149, %div3A : i32
        %while3A_151 = arith.constant 0 : i32
        %while3A_152 = arith.constant 0 : i32
        %while3A_153 = arith.subi %select_n3A_150, %while3A_151 : i32
        %while3A_154 = arith.addi %while3A_151, %while3A_153 : i32
        %while3A_155 = arith.constant 1 : i32
        %while3A_156 = arith.divsi %while3A_153, %while3A_155 : i32
        %while3A_157 = arith.muli %while3A_156, %while3A_155 : i32
        %while3A_158 = arith.addi %while3A_151, %while3A_157 : i32
        %while3A_159 = arith.constant 1 : i32
        %while3A_160 = scf.for %while3A_213 = %while3A_151 to %while3A_158 step %while3A_159 iter_args(%while3A_214 = %while3A_152) -> (i32)  : i32 {
          %mul3A_215 = arith.constant 16 : i32
          %mul3A_216 = arith.muli %while3A_213, %mul3A_215 : i32
          %get3A = arith.index_cast %mul3A_216 : i32 to index
          %get3A_217 = tpu.vector_load %arg9[%get3A] {strides = array<i32>} : memref<2832xi32, #tpu.memory_space<vmem>>, vector<16xi32>,
          %mul3A_218 = arith.constant 16 : i32
          %mul3A_219 = arith.muli %while3A_213, %mul3A_218 : i32
          %get3A_220 = arith.index_cast %mul3A_219 : i32 to index
          %get3A_221 = tpu.vector_load %arg10[%get3A_220] {strides = array<i32>} : memref<2832xi32, #tpu.memory_space<vmem>>, vector<16xi32>,
          %mul3A_222 = arith.constant 16 : i32
          %mul3A_223 = arith.muli %while3A_213, %mul3A_222 : i32
          %add3A_224 = vector.broadcast %mul3A_223 : i32 to vector<16xi32>
          %add3A_225 = arith.addi %add3A_224, %iota3A : vector<16xi32>
          %lt3A_226 = vector.broadcast %scan3A_29#1 : i32 to vector<16xi32>
          %lt3A_227 = arith.cmpi slt, %add3A_225, %lt3A_226 : vector<16xi32>
          %shift_right_logical3A = arith.constant 10 : i32
          %shift_right_logical3A_228 = vector.broadcast %shift_right_logical3A : i32 to vector<16xi32>
          %shift_right_logical3A_229 = arith.shrui %get3A_217, %shift_right_logical3A_228 : vector<16xi32>
          %eq3A_230 = vector.broadcast %add3A_65 : i32 to vector<16xi32>
          %eq3A_231 = arith.cmpi eq, %shift_right_logical3A_229, %eq3A_230 : vector<16xi32>
          %and3A_232 = arith.andi %lt3A_227, %eq3A_231 : vector<16xi1>
          %all_reduce_population_count3A = tpu.all_reduce %and3A_232 {dim = 0 : i64, kind = #tpu.reduction_kind<sum>} : vector<16xi1> -> vector<16xi32>
          %slice3A = vector.extract_strided_slice %all_reduce_population_count3A {offsets = [0], sizes = [1], strides = [1]} : vector<16xi32> to vector<1xi32>
          %squeeze3A = vector.extract %slice3A[0] : i32 from vector<1xi32>
          %swap3A = arith.index_cast %while3A_214 : i32 to index
          %swap3A_233 = tpu.vector_load %arg11[%swap3A] masked %and3A_232 {strides = array<i32>} : memref<2832xi32, #tpu.memory_space<vmem>>, vector<16xi32>, vector<16xi1>
          tpu.vector_store %arg11[%swap3A], %get3A_217 masked %and3A_232 {strides = array<i32>} : memref<2832xi32, #tpu.memory_space<vmem>>, vector<16xi32>, vector<16xi1>
          %swap3A_234 = arith.index_cast %while3A_214 : i32 to index
          %swap3A_235 = tpu.vector_load %arg12[%swap3A_234] masked %and3A_232 {strides = array<i32>} : memref<2832xi32, #tpu.memory_space<vmem>>, vector<16xi32>, vector<16xi1>
          tpu.vector_store %arg12[%swap3A_234], %get3A_221 masked %and3A_232 {strides = array<i32>} : memref<2832xi32, #tpu.memory_space<vmem>>, vector<16xi32>, vector<16xi1>
          %add3A_236 = arith.addi %while3A_214, %squeeze3A : i32
          scf.yield %add3A_236 : i32
        }
        %while3A_161 = arith.constant 1 : i32
        %while3A_162 = scf.for %while3A_213 = %while3A_158 to %while3A_154 step %while3A_161 iter_args(%while3A_214 = %while3A_160) -> (i32)  : i32 {
          %mul3A_215 = arith.constant 16 : i32
          %mul3A_216 = arith.muli %while3A_213, %mul3A_215 : i32
          %get3A = arith.index_cast %mul3A_216 : i32 to index
          %get3A_217 = tpu.vector_load %arg9[%get3A] {strides = array<i32>} : memref<2832xi32, #tpu.memory_space<vmem>>, vector<16xi32>,
          %mul3A_218 = arith.constant 16 : i32
          %mul3A_219 = arith.muli %while3A_213, %mul3A_218 : i32
          %get3A_220 = arith.index_cast %mul3A_219 : i32 to index
          %get3A_221 = tpu.vector_load %arg10[%get3A_220] {strides = array<i32>} : memref<2832xi32, #tpu.memory_space<vmem>>, vector<16xi32>,
          %mul3A_222 = arith.constant 16 : i32
          %mul3A_223 = arith.muli %while3A_213, %mul3A_222 : i32
          %add3A_224 = vector.broadcast %mul3A_223 : i32 to vector<16xi32>
          %add3A_225 = arith.addi %add3A_224, %iota3A : vector<16xi32>
          %lt3A_226 = vector.broadcast %scan3A_29#1 : i32 to vector<16xi32>
          %lt3A_227 = arith.cmpi slt, %add3A_225, %lt3A_226 : vector<16xi32>
          %shift_right_logical3A = arith.constant 10 : i32
          %shift_right_logical3A_228 = vector.broadcast %shift_right_logical3A : i32 to vector<16xi32>
          %shift_right_logical3A_229 = arith.shrui %get3A_217, %shift_right_logical3A_228 : vector<16xi32>
          %eq3A_230 = vector.broadcast %add3A_65 : i32 to vector<16xi32>
          %eq3A_231 = arith.cmpi eq, %shift_right_logical3A_229, %eq3A_230 : vector<16xi32>
          %and3A_232 = arith.andi %lt3A_227, %eq3A_231 : vector<16xi1>
          %all_reduce_population_count3A = tpu.all_reduce %and3A_232 {dim = 0 : i64, kind = #tpu.reduction_kind<sum>} : vector<16xi1> -> vector<16xi32>
          %slice3A = vector.extract_strided_slice %all_reduce_population_count3A {offsets = [0], sizes = [1], strides = [1]} : vector<16xi32> to vector<1xi32>
          %squeeze3A = vector.extract %slice3A[0] : i32 from vector<1xi32>
          %swap3A = arith.index_cast %while3A_214 : i32 to index
          %swap3A_233 = tpu.vector_load %arg11[%swap3A] masked %and3A_232 {strides = array<i32>} : memref<2832xi32, #tpu.memory_space<vmem>>, vector<16xi32>, vector<16xi1>
          tpu.vector_store %arg11[%swap3A], %get3A_217 masked %and3A_232 {strides = array<i32>} : memref<2832xi32, #tpu.memory_space<vmem>>, vector<16xi32>, vector<16xi1>
          %swap3A_234 = arith.index_cast %while3A_214 : i32 to index
          %swap3A_235 = tpu.vector_load %arg12[%swap3A_234] masked %and3A_232 {strides = array<i32>} : memref<2832xi32, #tpu.memory_space<vmem>>, vector<16xi32>, vector<16xi1>
          tpu.vector_store %arg12[%swap3A_234], %get3A_221 masked %and3A_232 {strides = array<i32>} : memref<2832xi32, #tpu.memory_space<vmem>>, vector<16xi32>, vector<16xi1>
          %add3A_236 = arith.addi %while3A_214, %squeeze3A : i32
          scf.yield %add3A_236 : i32
        }
        %add3A_163 = arith.constant 16 : i32
        %add3A_164 = arith.addi %while3A_162, %add3A_163 : i32
        %sub3A_165 = arith.constant 1 : i32
        %sub3A_166 = arith.subi %add3A_164, %sub3A_165 : i32
        %jit3A_167 = arith.constant 16 : i32
        %div3A_168 = arith.divsi %sub3A_166, %jit3A_167 : i32
        %sign3A_169 = arith.constant 0 : i32
        %sign3A_170 = arith.cmpi sgt, %sub3A_166, %sign3A_169 : i32
        %sign3A_171 = arith.extui %sign3A_170 : i1 to i32
        %sign3A_172 = arith.constant 0 : i32
        %sign3A_173 = arith.cmpi slt, %sub3A_166, %sign3A_172 : i32
        %sign3A_174 = arith.extui %sign3A_173 : i1 to i32
        %sign3A_175 = arith.subi %sign3A_171, %sign3A_174 : i32
        %sign3A_176 = arith.constant 0 : i32
        %sign3A_177 = arith.cmpi sgt, %jit3A_167, %sign3A_176 : i32
        %sign3A_178 = arith.extui %sign3A_177 : i1 to i32
        %sign3A_179 = arith.constant 0 : i32
        %sign3A_180 = arith.cmpi slt, %jit3A_167, %sign3A_179 : i32
        %sign3A_181 = arith.extui %sign3A_180 : i1 to i32
        %sign3A_182 = arith.subi %sign3A_178, %sign3A_181 : i32
        %ne3A_183 = arith.cmpi ne, %sign3A_175, %sign3A_182 : i32
        %rem3A_184 = arith.remsi %sub3A_166, %jit3A_167 : i32
        %ne3A_185 = arith.constant 0 : i32
        %ne3A_186 = arith.cmpi ne, %rem3A_184, %ne3A_185 : i32
        %and3A_187 = arith.andi %ne3A_183, %ne3A_186 : i1
        %sub3A_188 = arith.constant 1 : i32
        %sub3A_189 = arith.subi %div3A_168, %sub3A_188 : i32
        %select_n3A_190 = arith.select %and3A_187, %sub3A_189, %div3A_168 : i32
        %while3A_191 = arith.constant 0 : i32
        %while3A_192 = arith.constant 0 : i32
        %while3A_193 = arith.subi %select_n3A_190, %while3A_192 : i32
        %while3A_194 = arith.addi %while3A_192, %while3A_193 : i32
        %while3A_195 = arith.constant 1 : i32
        %while3A_196 = arith.divsi %while3A_193, %while3A_195 : i32
        %while3A_197 = arith.muli %while3A_196, %while3A_195 : i32
        %while3A_198 = arith.addi %while3A_192, %while3A_197 : i32
        %while3A_199 = arith.constant 1 : i32
        scf.for %while3A_213 = %while3A_192 to %while3A_198 step %while3A_199  : i32 {
          %jit3A_214 = arith.constant 2 : i32
          %eq3A_215 = arith.constant 0 : i32
          %eq3A_216 = arith.cmpi eq, %jit3A_214, %eq3A_215 : i32
          %jit3A_217 = arith.constant 1 : i32
          %select_n3A_218 = arith.select %eq3A_216, %jit3A_217, %jit3A_214 : i32
          %rem3A_219 = arith.remsi %while3A_213, %select_n3A_218 : i32
          %ne3A_220 = arith.constant 0 : i32
          %ne3A_221 = arith.cmpi ne, %rem3A_219, %ne3A_220 : i32
          %lt3A_222 = arith.constant 0 : i32
          %lt3A_223 = arith.cmpi slt, %rem3A_219, %lt3A_222 : i32
          %lt3A_224 = arith.constant 0 : i32
          %lt3A_225 = arith.cmpi slt, %select_n3A_218, %lt3A_224 : i32
          %ne3A_226 = arith.xori %lt3A_223, %lt3A_225 : i1
          %and3A_227 = arith.andi %ne3A_226, %ne3A_221 : i1
          %add3A_228 = arith.addi %rem3A_219, %select_n3A_218 : i32
          %select_n3A_229 = arith.select %and3A_227, %add3A_228, %rem3A_219 : i32
          %mul3A_230 = arith.constant 16 : i32
          %mul3A_231 = arith.muli %while3A_213, %mul3A_230 : i32
          %get3A = arith.index_cast %mul3A_231 : i32 to index
          %get3A_232 = tpu.vector_load %arg11[%get3A] {strides = array<i32>} : memref<2832xi32, #tpu.memory_space<vmem>>, vector<16xi32>,
          %mul3A_233 = arith.constant 16 : i32
          %mul3A_234 = arith.muli %while3A_213, %mul3A_233 : i32
          %get3A_235 = arith.index_cast %mul3A_234 : i32 to index
          %get3A_236 = tpu.vector_load %arg12[%get3A_235] {strides = array<i32>} : memref<2832xi32, #tpu.memory_space<vmem>>, vector<16xi32>,
          %mul3A_237 = arith.constant 16 : i32
          %mul3A_238 = arith.muli %while3A_213, %mul3A_237 : i32
          %sub3A_239 = arith.subi %while3A_162, %mul3A_238 : i32
          %lt3A_240 = vector.broadcast %sub3A_239 : i32 to vector<16xi32>
          %lt3A_241 = arith.cmpi slt, %iota3A, %lt3A_240 : vector<16xi32>
          %mul3A_242 = arith.constant 1024 : i32
          %mul3A_243 = arith.muli %add3A_65, %mul3A_242 : i32
          %sub3A_244 = vector.broadcast %mul3A_243 : i32 to vector<16xi32>
          %sub3A_245 = arith.subi %get3A_232, %sub3A_244 : vector<16xi32>
          %jit3A_246 = arith.constant 0 : i32
          %jit3A_247 = arith.constant 1023 : i32
          %max3A = vector.broadcast %jit3A_246 : i32 to vector<16xi32>
          %max3A_248 = arith.maxsi %max3A, %sub3A_245 : vector<16xi32>
          %min3A_249 = vector.broadcast %jit3A_247 : i32 to vector<16xi32>
          %min3A_250 = arith.minsi %min3A_249, %max3A_248 : vector<16xi32>
          %add3A_251 = arith.constant 16384 : i32
          %add3A_252 = vector.broadcast %add3A_251 : i32 to vector<16xi32>
          %add3A_253 = arith.addi %add3A_252, %iota3A : vector<16xi32>
          %select_n3A_254 = arith.select %lt3A_241, %get3A_236, %add3A_253 : vector<16xi1>, vector<16xi32>
          %ge3A = arith.constant 2 : i32
          %ge3A_255 = arith.cmpi sge, %while3A_213, %ge3A : i32
          %convert_element_type3A_256 = arith.extui %ge3A_255 : i1 to i32
          %cond3A_257 = arith.constant 0 : i32
          %cond3A_258 = arith.cmpi ne, %convert_element_type3A_256, %cond3A_257 : i32
          scf.if %cond3A_258 {
            %dma_wait3A = arith.constant 0 : i32
            %dma_wait3A_549 = arith.constant 0 : i32
            %dma_wait3A_550 = arith.constant 0 : i32
            %dma_wait3A_551 = tpu.memref_slice %arg13[%dma_wait3A, %dma_wait3A_549, %dma_wait3A_550] : memref<2x16x128xf32, #tpu.memory_space<vmem>> -> memref<1x16x128xf32, #tpu.memory_space<vmem>>
            %dma_wait3A_552 = tpu.memref_squeeze %dma_wait3A_551 : memref<1x16x128xf32, #tpu.memory_space<vmem>> -> memref<16x128xf32, #tpu.memory_space<vmem>>
            %dma_wait3A_553 = arith.constant 0 : i32
            %dma_wait3A_554 = arith.constant 0 : i32
            %dma_wait3A_555 = tpu.memref_slice %arg6[%dma_wait3A_553, %dma_wait3A_554] : memref<32832x128xf32, #tpu.memory_space<hbm>> -> memref<16x128xf32, #tpu.memory_space<hbm>>
            %dma_wait3A_556 = arith.constant 0 : i32
            %dma_wait3A_557 = arith.constant 0 : i32
            %dma_wait3A_558 = tpu.memref_slice %arg13[%dma_wait3A, %dma_wait3A_556, %dma_wait3A_557] : memref<2x16x128xf32, #tpu.memory_space<vmem>> -> memref<1x16x128xf32, #tpu.memory_space<vmem>>
            %dma_wait3A_559 = tpu.memref_squeeze %dma_wait3A_558 : memref<1x16x128xf32, #tpu.memory_space<vmem>> -> memref<16x128xf32, #tpu.memory_space<vmem>>
            %dma_wait3A_560 = arith.constant 0 : i32
            %dma_wait3A_561 = arith.constant 0 : i32
            %dma_wait3A_562 = tpu.memref_slice %arg6[%dma_wait3A_560, %dma_wait3A_561] : memref<32832x128xf32, #tpu.memory_space<hbm>> -> memref<16x128xf32, #tpu.memory_space<hbm>>
            tpu.wait_dma2 semaphore(%arg15 : memref<!tpu.dma_semaphore, #tpu.memory_space<semaphore_mem>>) src(%dma_wait3A_562 : memref<16x128xf32, #tpu.memory_space<hbm>>) dst(%dma_wait3A_559 : memref<16x128xf32, #tpu.memory_space<vmem>>)
          } else {
          }
          %broadcast_in_dim3A = vector.broadcast %select_n3A_78 : i32 to vector<16xi32>
          %slice3A = vector.extract_strided_slice %min3A_250 {offsets = [0], sizes = [1], strides = [1]} : vector<16xi32> to vector<1xi32>
          %squeeze3A = vector.extract %slice3A[0] : i32 from vector<1xi32>
          %broadcast_in_dim3A_259 = vector.broadcast %squeeze3A : i32 to vector<16xi32>
          %gather3A = tpu.vector_load_idx %arg8[%broadcast_in_dim3A, %iota3A, %broadcast_in_dim3A_259] : memref<3x32x1024xf32, #tpu.memory_space<vmem>>[vector<16xi32>, vector<16xi32>, vector<16xi32>], vector<16xf32>,
          %add3A_260 = arith.constant 16 : i32
          %add3A_261 = vector.broadcast %add3A_260 : i32 to vector<16xi32>
          %add3A_262 = arith.addi %iota3A, %add3A_261 : vector<16xi32>
          %gather3A_263 = tpu.vector_load_idx %arg8[%broadcast_in_dim3A, %add3A_262, %broadcast_in_dim3A_259] : memref<3x32x1024xf32, #tpu.memory_space<vmem>>[vector<16xi32>, vector<16xi32>, vector<16xi32>], vector<16xf32>,
          %swap3A = arith.constant 0 : i32
          %swap3A_264 = arith.index_cast %select_n3A_229 : i32 to index
          %swap3A_265 = arith.index_cast %swap3A : i32 to index
          %swap3A_266 = arith.constant 0 : index
          %swap3A_267 = tpu.vector_load %arg13[%swap3A_264, %swap3A_265, %swap3A_266] {strides = array<i32>} : memref<2x16x128xf32, #tpu.memory_space<vmem>>, vector<16xf32>,
          tpu.vector_store %arg13[%swap3A_264, %swap3A_265, %swap3A_266], %gather3A {strides = array<i32>} : memref<2x16x128xf32, #tpu.memory_space<vmem>>, vector<16xf32>,
          %swap3A_268 = arith.constant 0 : i32
          %swap3A_269 = arith.index_cast %select_n3A_229 : i32 to index
          %swap3A_270 = arith.index_cast %swap3A_268 : i32 to index
          %swap3A_271 = arith.constant 16 : index
          %swap3A_272 = tpu.vector_load %arg13[%swap3A_269, %swap3A_270, %swap3A_271] {strides = array<i32>} : memref<2x16x128xf32, #tpu.memory_space<vmem>>, vector<16xf32>,
          tpu.vector_store %arg13[%swap3A_269, %swap3A_270, %swap3A_271], %gather3A_263 {strides = array<i32>} : memref<2x16x128xf32, #tpu.memory_space<vmem>>, vector<16xf32>,
          %slice3A_273 = vector.extract_strided_slice %min3A_250 {offsets = [1], sizes = [1], strides = [1]} : vector<16xi32> to vector<1xi32>
          %squeeze3A_274 = vector.extract %slice3A_273[0] : i32 from vector<1xi32>
          %broadcast_in_dim3A_275 = vector.broadcast %squeeze3A_274 : i32 to vector<16xi32>
          %gather3A_276 = tpu.vector_load_idx %arg8[%broadcast_in_dim3A, %iota3A, %broadcast_in_dim3A_275] : memref<3x32x1024xf32, #tpu.memory_space<vmem>>[vector<16xi32>, vector<16xi32>, vector<16xi32>], vector<16xf32>,
          %add3A_277 = arith.constant 16 : i32
          %add3A_278 = vector.broadcast %add3A_277 : i32 to vector<16xi32>
          %add3A_279 = arith.addi %iota3A, %add3A_278 : vector<16xi32>
          %gather3A_280 = tpu.vector_load_idx %arg8[%broadcast_in_dim3A, %add3A_279, %broadcast_in_dim3A_275] : memref<3x32x1024xf32, #tpu.memory_space<vmem>>[vector<16xi32>, vector<16xi32>, vector<16xi32>], vector<16xf32>,
          %swap3A_281 = arith.constant 1 : i32
          %swap3A_282 = arith.index_cast %select_n3A_229 : i32 to index
          %swap3A_283 = arith.index_cast %swap3A_281 : i32 to index
          %swap3A_284 = arith.constant 0 : index
          %swap3A_285 = tpu.vector_load %arg13[%swap3A_282, %swap3A_283, %swap3A_284] {strides = array<i32>} : memref<2x16x128xf32, #tpu.memory_space<vmem>>, vector<16xf32>,
          tpu.vector_store %arg13[%swap3A_282, %swap3A_283, %swap3A_284], %gather3A_276 {strides = array<i32>} : memref<2x16x128xf32, #tpu.memory_space<vmem>>, vector<16xf32>,
          %swap3A_286 = arith.constant 1 : i32
          %swap3A_287 = arith.index_cast %select_n3A_229 : i32 to index
          %swap3A_288 = arith.index_cast %swap3A_286 : i32 to index
          %swap3A_289 = arith.constant 16 : index
          %swap3A_290 = tpu.vector_load %arg13[%swap3A_287, %swap3A_288, %swap3A_289] {strides = array<i32>} : memref<2x16x128xf32, #tpu.memory_space<vmem>>, vector<16xf32>,
          tpu.vector_store %arg13[%swap3A_287, %swap3A_288, %swap3A_289], %gather3A_280 {strides = array<i32>} : memref<2x16x128xf32, #tpu.memory_space<vmem>>, vector<16xf32>,
          %slice3A_291 = vector.extract_strided_slice %min3A_250 {offsets = [2], sizes = [1], strides = [1]} : vector<16xi32> to vector<1xi32>
          %squeeze3A_292 = vector.extract %slice3A_291[0] : i32 from vector<1xi32>
          %broadcast_in_dim3A_293 = vector.broadcast %squeeze3A_292 : i32 to vector<16xi32>
          %gather3A_294 = tpu.vector_load_idx %arg8[%broadcast_in_dim3A, %iota3A, %broadcast_in_dim3A_293] : memref<3x32x1024xf32, #tpu.memory_space<vmem>>[vector<16xi32>, vector<16xi32>, vector<16xi32>], vector<16xf32>,
          %add3A_295 = arith.constant 16 : i32
          %add3A_296 = vector.broadcast %add3A_295 : i32 to vector<16xi32>
          %add3A_297 = arith.addi %iota3A, %add3A_296 : vector<16xi32>
          %gather3A_298 = tpu.vector_load_idx %arg8[%broadcast_in_dim3A, %add3A_297, %broadcast_in_dim3A_293] : memref<3x32x1024xf32, #tpu.memory_space<vmem>>[vector<16xi32>, vector<16xi32>, vector<16xi32>], vector<16xf32>,
          %swap3A_299 = arith.constant 2 : i32
          %swap3A_300 = arith.index_cast %select_n3A_229 : i32 to index
          %swap3A_301 = arith.index_cast %swap3A_299 : i32 to index
          %swap3A_302 = arith.constant 0 : index
          %swap3A_303 = tpu.vector_load %arg13[%swap3A_300, %swap3A_301, %swap3A_302] {strides = array<i32>} : memref<2x16x128xf32, #tpu.memory_space<vmem>>, vector<16xf32>,
          tpu.vector_store %arg13[%swap3A_300, %swap3A_301, %swap3A_302], %gather3A_294 {strides = array<i32>} : memref<2x16x128xf32, #tpu.memory_space<vmem>>, vector<16xf32>,
          %swap3A_304 = arith.constant 2 : i32
          %swap3A_305 = arith.index_cast %select_n3A_229 : i32 to index
          %swap3A_306 = arith.index_cast %swap3A_304 : i32 to index
          %swap3A_307 = arith.constant 16 : index
          %swap3A_308 = tpu.vector_load %arg13[%swap3A_305, %swap3A_306, %swap3A_307] {strides = array<i32>} : memref<2x16x128xf32, #tpu.memory_space<vmem>>, vector<16xf32>,
          tpu.vector_store %arg13[%swap3A_305, %swap3A_306, %swap3A_307], %gather3A_298 {strides = array<i32>} : memref<2x16x128xf32, #tpu.memory_space<vmem>>, vector<16xf32>,
          %slice3A_309 = vector.extract_strided_slice %min3A_250 {offsets = [3], sizes = [1], strides = [1]} : vector<16xi32> to vector<1xi32>
          %squeeze3A_310 = vector.extract %slice3A_309[0] : i32 from vector<1xi32>
          %broadcast_in_dim3A_311 = vector.broadcast %squeeze3A_310 : i32 to vector<16xi32>
          %gather3A_312 = tpu.vector_load_idx %arg8[%broadcast_in_dim3A, %iota3A, %broadcast_in_dim3A_311] : memref<3x32x1024xf32, #tpu.memory_space<vmem>>[vector<16xi32>, vector<16xi32>, vector<16xi32>], vector<16xf32>,
          %add3A_313 = arith.constant 16 : i32
          %add3A_314 = vector.broadcast %add3A_313 : i32 to vector<16xi32>
          %add3A_315 = arith.addi %iota3A, %add3A_314 : vector<16xi32>
          %gather3A_316 = tpu.vector_load_idx %arg8[%broadcast_in_dim3A, %add3A_315, %broadcast_in_dim3A_311] : memref<3x32x1024xf32, #tpu.memory_space<vmem>>[vector<16xi32>, vector<16xi32>, vector<16xi32>], vector<16xf32>,
          %swap3A_317 = arith.constant 3 : i32
          %swap3A_318 = arith.index_cast %select_n3A_229 : i32 to index
          %swap3A_319 = arith.index_cast %swap3A_317 : i32 to index
          %swap3A_320 = arith.constant 0 : index
          %swap3A_321 = tpu.vector_load %arg13[%swap3A_318, %swap3A_319, %swap3A_320] {strides = array<i32>} : memref<2x16x128xf32, #tpu.memory_space<vmem>>, vector<16xf32>,
          tpu.vector_store %arg13[%swap3A_318, %swap3A_319, %swap3A_320], %gather3A_312 {strides = array<i32>} : memref<2x16x128xf32, #tpu.memory_space<vmem>>, vector<16xf32>,
          %swap3A_322 = arith.constant 3 : i32
          %swap3A_323 = arith.index_cast %select_n3A_229 : i32 to index
          %swap3A_324 = arith.index_cast %swap3A_322 : i32 to index
          %swap3A_325 = arith.constant 16 : index
          %swap3A_326 = tpu.vector_load %arg13[%swap3A_323, %swap3A_324, %swap3A_325] {strides = array<i32>} : memref<2x16x128xf32, #tpu.memory_space<vmem>>, vector<16xf32>,
          tpu.vector_store %arg13[%swap3A_323, %swap3A_324, %swap3A_325], %gather3A_316 {strides = array<i32>} : memref<2x16x128xf32, #tpu.memory_space<vmem>>, vector<16xf32>,
          %slice3A_327 = vector.extract_strided_slice %min3A_250 {offsets = [4], sizes = [1], strides = [1]} : vector<16xi32> to vector<1xi32>
          %squeeze3A_328 = vector.extract %slice3A_327[0] : i32 from vector<1xi32>
          %broadcast_in_dim3A_329 = vector.broadcast %squeeze3A_328 : i32 to vector<16xi32>
          %gather3A_330 = tpu.vector_load_idx %arg8[%broadcast_in_dim3A, %iota3A, %broadcast_in_dim3A_329] : memref<3x32x1024xf32, #tpu.memory_space<vmem>>[vector<16xi32>, vector<16xi32>, vector<16xi32>], vector<16xf32>,
          %add3A_331 = arith.constant 16 : i32
          %add3A_332 = vector.broadcast %add3A_331 : i32 to vector<16xi32>
          %add3A_333 = arith.addi %iota3A, %add3A_332 : vector<16xi32>
          %gather3A_334 = tpu.vector_load_idx %arg8[%broadcast_in_dim3A, %add3A_333, %broadcast_in_dim3A_329] : memref<3x32x1024xf32, #tpu.memory_space<vmem>>[vector<16xi32>, vector<16xi32>, vector<16xi32>], vector<16xf32>,
          %swap3A_335 = arith.constant 4 : i32
          %swap3A_336 = arith.index_cast %select_n3A_229 : i32 to index
          %swap3A_337 = arith.index_cast %swap3A_335 : i32 to index
          %swap3A_338 = arith.constant 0 : index
          %swap3A_339 = tpu.vector_load %arg13[%swap3A_336, %swap3A_337, %swap3A_338] {strides = array<i32>} : memref<2x16x128xf32, #tpu.memory_space<vmem>>, vector<16xf32>,
          tpu.vector_store %arg13[%swap3A_336, %swap3A_337, %swap3A_338], %gather3A_330 {strides = array<i32>} : memref<2x16x128xf32, #tpu.memory_space<vmem>>, vector<16xf32>,
          %swap3A_340 = arith.constant 4 : i32
          %swap3A_341 = arith.index_cast %select_n3A_229 : i32 to index
          %swap3A_342 = arith.index_cast %swap3A_340 : i32 to index
          %swap3A_343 = arith.constant 16 : index
          %swap3A_344 = tpu.vector_load %arg13[%swap3A_341, %swap3A_342, %swap3A_343] {strides = array<i32>} : memref<2x16x128xf32, #tpu.memory_space<vmem>>, vector<16xf32>,
          tpu.vector_store %arg13[%swap3A_341, %swap3A_342, %swap3A_343], %gather3A_334 {strides = array<i32>} : memref<2x16x128xf32, #tpu.memory_space<vmem>>, vector<16xf32>,
          %slice3A_345 = vector.extract_strided_slice %min3A_250 {offsets = [5], sizes = [1], strides = [1]} : vector<16xi32> to vector<1xi32>
          %squeeze3A_346 = vector.extract %slice3A_345[0] : i32 from vector<1xi32>
          %broadcast_in_dim3A_347 = vector.broadcast %squeeze3A_346 : i32 to vector<16xi32>
          %gather3A_348 = tpu.vector_load_idx %arg8[%broadcast_in_dim3A, %iota3A, %broadcast_in_dim3A_347] : memref<3x32x1024xf32, #tpu.memory_space<vmem>>[vector<16xi32>, vector<16xi32>, vector<16xi32>], vector<16xf32>,
          %add3A_349 = arith.constant 16 : i32
          %add3A_350 = vector.broadcast %add3A_349 : i32 to vector<16xi32>
          %add3A_351 = arith.addi %iota3A, %add3A_350 : vector<16xi32>
          %gather3A_352 = tpu.vector_load_idx %arg8[%broadcast_in_dim3A, %add3A_351, %broadcast_in_dim3A_347] : memref<3x32x1024xf32, #tpu.memory_space<vmem>>[vector<16xi32>, vector<16xi32>, vector<16xi32>], vector<16xf32>,
          %swap3A_353 = arith.constant 5 : i32
          %swap3A_354 = arith.index_cast %select_n3A_229 : i32 to index
          %swap3A_355 = arith.index_cast %swap3A_353 : i32 to index
          %swap3A_356 = arith.constant 0 : index
          %swap3A_357 = tpu.vector_load %arg13[%swap3A_354, %swap3A_355, %swap3A_356] {strides = array<i32>} : memref<2x16x128xf32, #tpu.memory_space<vmem>>, vector<16xf32>,
          tpu.vector_store %arg13[%swap3A_354, %swap3A_355, %swap3A_356], %gather3A_348 {strides = array<i32>} : memref<2x16x128xf32, #tpu.memory_space<vmem>>, vector<16xf32>,
          %swap3A_358 = arith.constant 5 : i32
          %swap3A_359 = arith.index_cast %select_n3A_229 : i32 to index
          %swap3A_360 = arith.index_cast %swap3A_358 : i32 to index
          %swap3A_361 = arith.constant 16 : index
          %swap3A_362 = tpu.vector_load %arg13[%swap3A_359, %swap3A_360, %swap3A_361] {strides = array<i32>} : memref<2x16x128xf32, #tpu.memory_space<vmem>>, vector<16xf32>,
          tpu.vector_store %arg13[%swap3A_359, %swap3A_360, %swap3A_361], %gather3A_352 {strides = array<i32>} : memref<2x16x128xf32, #tpu.memory_space<vmem>>, vector<16xf32>,
          %slice3A_363 = vector.extract_strided_slice %min3A_250 {offsets = [6], sizes = [1], strides = [1]} : vector<16xi32> to vector<1xi32>
          %squeeze3A_364 = vector.extract %slice3A_363[0] : i32 from vector<1xi32>
          %broadcast_in_dim3A_365 = vector.broadcast %squeeze3A_364 : i32 to vector<16xi32>
          %gather3A_366 = tpu.vector_load_idx %arg8[%broadcast_in_dim3A, %iota3A, %broadcast_in_dim3A_365] : memref<3x32x1024xf32, #tpu.memory_space<vmem>>[vector<16xi32>, vector<16xi32>, vector<16xi32>], vector<16xf32>,
          %add3A_367 = arith.constant 16 : i32
          %add3A_368 = vector.broadcast %add3A_367 : i32 to vector<16xi32>
          %add3A_369 = arith.addi %iota3A, %add3A_368 : vector<16xi32>
          %gather3A_370 = tpu.vector_load_idx %arg8[%broadcast_in_dim3A, %add3A_369, %broadcast_in_dim3A_365] : memref<3x32x1024xf32, #tpu.memory_space<vmem>>[vector<16xi32>, vector<16xi32>, vector<16xi32>], vector<16xf32>,
          %swap3A_371 = arith.constant 6 : i32
          %swap3A_372 = arith.index_cast %select_n3A_229 : i32 to index
          %swap3A_373 = arith.index_cast %swap3A_371 : i32 to index
          %swap3A_374 = arith.constant 0 : index
          %swap3A_375 = tpu.vector_load %arg13[%swap3A_372, %swap3A_373, %swap3A_374] {strides = array<i32>} : memref<2x16x128xf32, #tpu.memory_space<vmem>>, vector<16xf32>,
          tpu.vector_store %arg13[%swap3A_372, %swap3A_373, %swap3A_374], %gather3A_366 {strides = array<i32>} : memref<2x16x128xf32, #tpu.memory_space<vmem>>, vector<16xf32>,
          %swap3A_376 = arith.constant 6 : i32
          %swap3A_377 = arith.index_cast %select_n3A_229 : i32 to index
          %swap3A_378 = arith.index_cast %swap3A_376 : i32 to index
          %swap3A_379 = arith.constant 16 : index
          %swap3A_380 = tpu.vector_load %arg13[%swap3A_377, %swap3A_378, %swap3A_379] {strides = array<i32>} : memref<2x16x128xf32, #tpu.memory_space<vmem>>, vector<16xf32>,
          tpu.vector_store %arg13[%swap3A_377, %swap3A_378, %swap3A_379], %gather3A_370 {strides = array<i32>} : memref<2x16x128xf32, #tpu.memory_space<vmem>>, vector<16xf32>,
          %slice3A_381 = vector.extract_strided_slice %min3A_250 {offsets = [7], sizes = [1], strides = [1]} : vector<16xi32> to vector<1xi32>
          %squeeze3A_382 = vector.extract %slice3A_381[0] : i32 from vector<1xi32>
          %broadcast_in_dim3A_383 = vector.broadcast %squeeze3A_382 : i32 to vector<16xi32>
          %gather3A_384 = tpu.vector_load_idx %arg8[%broadcast_in_dim3A, %iota3A, %broadcast_in_dim3A_383] : memref<3x32x1024xf32, #tpu.memory_space<vmem>>[vector<16xi32>, vector<16xi32>, vector<16xi32>], vector<16xf32>,
          %add3A_385 = arith.constant 16 : i32
          %add3A_386 = vector.broadcast %add3A_385 : i32 to vector<16xi32>
          %add3A_387 = arith.addi %iota3A, %add3A_386 : vector<16xi32>
          %gather3A_388 = tpu.vector_load_idx %arg8[%broadcast_in_dim3A, %add3A_387, %broadcast_in_dim3A_383] : memref<3x32x1024xf32, #tpu.memory_space<vmem>>[vector<16xi32>, vector<16xi32>, vector<16xi32>], vector<16xf32>,
          %swap3A_389 = arith.constant 7 : i32
          %swap3A_390 = arith.index_cast %select_n3A_229 : i32 to index
          %swap3A_391 = arith.index_cast %swap3A_389 : i32 to index
          %swap3A_392 = arith.constant 0 : index
          %swap3A_393 = tpu.vector_load %arg13[%swap3A_390, %swap3A_391, %swap3A_392] {strides = array<i32>} : memref<2x16x128xf32, #tpu.memory_space<vmem>>, vector<16xf32>,
          tpu.vector_store %arg13[%swap3A_390, %swap3A_391, %swap3A_392], %gather3A_384 {strides = array<i32>} : memref<2x16x128xf32, #tpu.memory_space<vmem>>, vector<16xf32>,
          %swap3A_394 = arith.constant 7 : i32
          %swap3A_395 = arith.index_cast %select_n3A_229 : i32 to index
          %swap3A_396 = arith.index_cast %swap3A_394 : i32 to index
          %swap3A_397 = arith.constant 16 : index
          %swap3A_398 = tpu.vector_load %arg13[%swap3A_395, %swap3A_396, %swap3A_397] {strides = array<i32>} : memref<2x16x128xf32, #tpu.memory_space<vmem>>, vector<16xf32>,
          tpu.vector_store %arg13[%swap3A_395, %swap3A_396, %swap3A_397], %gather3A_388 {strides = array<i32>} : memref<2x16x128xf32, #tpu.memory_space<vmem>>, vector<16xf32>,
          %slice3A_399 = vector.extract_strided_slice %min3A_250 {offsets = [8], sizes = [1], strides = [1]} : vector<16xi32> to vector<1xi32>
          %squeeze3A_400 = vector.extract %slice3A_399[0] : i32 from vector<1xi32>
          %broadcast_in_dim3A_401 = vector.broadcast %squeeze3A_400 : i32 to vector<16xi32>
          %gather3A_402 = tpu.vector_load_idx %arg8[%broadcast_in_dim3A, %iota3A, %broadcast_in_dim3A_401] : memref<3x32x1024xf32, #tpu.memory_space<vmem>>[vector<16xi32>, vector<16xi32>, vector<16xi32>], vector<16xf32>,
          %add3A_403 = arith.constant 16 : i32
          %add3A_404 = vector.broadcast %add3A_403 : i32 to vector<16xi32>
          %add3A_405 = arith.addi %iota3A, %add3A_404 : vector<16xi32>
          %gather3A_406 = tpu.vector_load_idx %arg8[%broadcast_in_dim3A, %add3A_405, %broadcast_in_dim3A_401] : memref<3x32x1024xf32, #tpu.memory_space<vmem>>[vector<16xi32>, vector<16xi32>, vector<16xi32>], vector<16xf32>,
          %swap3A_407 = arith.constant 8 : i32
          %swap3A_408 = arith.index_cast %select_n3A_229 : i32 to index
          %swap3A_409 = arith.index_cast %swap3A_407 : i32 to index
          %swap3A_410 = arith.constant 0 : index
          %swap3A_411 = tpu.vector_load %arg13[%swap3A_408, %swap3A_409, %swap3A_410] {strides = array<i32>} : memref<2x16x128xf32, #tpu.memory_space<vmem>>, vector<16xf32>,
          tpu.vector_store %arg13[%swap3A_408, %swap3A_409, %swap3A_410], %gather3A_402 {strides = array<i32>} : memref<2x16x128xf32, #tpu.memory_space<vmem>>, vector<16xf32>,
          %swap3A_412 = arith.constant 8 : i32
          %swap3A_413 = arith.index_cast %select_n3A_229 : i32 to index
          %swap3A_414 = arith.index_cast %swap3A_412 : i32 to index
          %swap3A_415 = arith.constant 16 : index
          %swap3A_416 = tpu.vector_load %arg13[%swap3A_413, %swap3A_414, %swap3A_415] {strides = array<i32>} : memref<2x16x128xf32, #tpu.memory_space<vmem>>, vector<16xf32>,
          tpu.vector_store %arg13[%swap3A_413, %swap3A_414, %swap3A_415], %gather3A_406 {strides = array<i32>} : memref<2x16x128xf32, #tpu.memory_space<vmem>>, vector<16xf32>,
          %slice3A_417 = vector.extract_strided_slice %min3A_250 {offsets = [9], sizes = [1], strides = [1]} : vector<16xi32> to vector<1xi32>
          %squeeze3A_418 = vector.extract %slice3A_417[0] : i32 from vector<1xi32>
          %broadcast_in_dim3A_419 = vector.broadcast %squeeze3A_418 : i32 to vector<16xi32>
          %gather3A_420 = tpu.vector_load_idx %arg8[%broadcast_in_dim3A, %iota3A, %broadcast_in_dim3A_419] : memref<3x32x1024xf32, #tpu.memory_space<vmem>>[vector<16xi32>, vector<16xi32>, vector<16xi32>], vector<16xf32>,
          %add3A_421 = arith.constant 16 : i32
          %add3A_422 = vector.broadcast %add3A_421 : i32 to vector<16xi32>
          %add3A_423 = arith.addi %iota3A, %add3A_422 : vector<16xi32>
          %gather3A_424 = tpu.vector_load_idx %arg8[%broadcast_in_dim3A, %add3A_423, %broadcast_in_dim3A_419] : memref<3x32x1024xf32, #tpu.memory_space<vmem>>[vector<16xi32>, vector<16xi32>, vector<16xi32>], vector<16xf32>,
          %swap3A_425 = arith.constant 9 : i32
          %swap3A_426 = arith.index_cast %select_n3A_229 : i32 to index
          %swap3A_427 = arith.index_cast %swap3A_425 : i32 to index
          %swap3A_428 = arith.constant 0 : index
          %swap3A_429 = tpu.vector_load %arg13[%swap3A_426, %swap3A_427, %swap3A_428] {strides = array<i32>} : memref<2x16x128xf32, #tpu.memory_space<vmem>>, vector<16xf32>,
          tpu.vector_store %arg13[%swap3A_426, %swap3A_427, %swap3A_428], %gather3A_420 {strides = array<i32>} : memref<2x16x128xf32, #tpu.memory_space<vmem>>, vector<16xf32>,
          %swap3A_430 = arith.constant 9 : i32
          %swap3A_431 = arith.index_cast %select_n3A_229 : i32 to index
          %swap3A_432 = arith.index_cast %swap3A_430 : i32 to index
          %swap3A_433 = arith.constant 16 : index
          %swap3A_434 = tpu.vector_load %arg13[%swap3A_431, %swap3A_432, %swap3A_433] {strides = array<i32>} : memref<2x16x128xf32, #tpu.memory_space<vmem>>, vector<16xf32>,
          tpu.vector_store %arg13[%swap3A_431, %swap3A_432, %swap3A_433], %gather3A_424 {strides = array<i32>} : memref<2x16x128xf32, #tpu.memory_space<vmem>>, vector<16xf32>,
          %slice3A_435 = vector.extract_strided_slice %min3A_250 {offsets = [10], sizes = [1], strides = [1]} : vector<16xi32> to vector<1xi32>
          %squeeze3A_436 = vector.extract %slice3A_435[0] : i32 from vector<1xi32>
          %broadcast_in_dim3A_437 = vector.broadcast %squeeze3A_436 : i32 to vector<16xi32>
          %gather3A_438 = tpu.vector_load_idx %arg8[%broadcast_in_dim3A, %iota3A, %broadcast_in_dim3A_437] : memref<3x32x1024xf32, #tpu.memory_space<vmem>>[vector<16xi32>, vector<16xi32>, vector<16xi32>], vector<16xf32>,
          %add3A_439 = arith.constant 16 : i32
          %add3A_440 = vector.broadcast %add3A_439 : i32 to vector<16xi32>
          %add3A_441 = arith.addi %iota3A, %add3A_440 : vector<16xi32>
          %gather3A_442 = tpu.vector_load_idx %arg8[%broadcast_in_dim3A, %add3A_441, %broadcast_in_dim3A_437] : memref<3x32x1024xf32, #tpu.memory_space<vmem>>[vector<16xi32>, vector<16xi32>, vector<16xi32>], vector<16xf32>,
          %swap3A_443 = arith.constant 10 : i32
          %swap3A_444 = arith.index_cast %select_n3A_229 : i32 to index
          %swap3A_445 = arith.index_cast %swap3A_443 : i32 to index
          %swap3A_446 = arith.constant 0 : index
          %swap3A_447 = tpu.vector_load %arg13[%swap3A_444, %swap3A_445, %swap3A_446] {strides = array<i32>} : memref<2x16x128xf32, #tpu.memory_space<vmem>>, vector<16xf32>,
          tpu.vector_store %arg13[%swap3A_444, %swap3A_445, %swap3A_446], %gather3A_438 {strides = array<i32>} : memref<2x16x128xf32, #tpu.memory_space<vmem>>, vector<16xf32>,
          %swap3A_448 = arith.constant 10 : i32
          %swap3A_449 = arith.index_cast %select_n3A_229 : i32 to index
          %swap3A_450 = arith.index_cast %swap3A_448 : i32 to index
          %swap3A_451 = arith.constant 16 : index
          %swap3A_452 = tpu.vector_load %arg13[%swap3A_449, %swap3A_450, %swap3A_451] {strides = array<i32>} : memref<2x16x128xf32, #tpu.memory_space<vmem>>, vector<16xf32>,
          tpu.vector_store %arg13[%swap3A_449, %swap3A_450, %swap3A_451], %gather3A_442 {strides = array<i32>} : memref<2x16x128xf32, #tpu.memory_space<vmem>>, vector<16xf32>,
          %slice3A_453 = vector.extract_strided_slice %min3A_250 {offsets = [11], sizes = [1], strides = [1]} : vector<16xi32> to vector<1xi32>
          %squeeze3A_454 = vector.extract %slice3A_453[0] : i32 from vector<1xi32>
          %broadcast_in_dim3A_455 = vector.broadcast %squeeze3A_454 : i32 to vector<16xi32>
          %gather3A_456 = tpu.vector_load_idx %arg8[%broadcast_in_dim3A, %iota3A, %broadcast_in_dim3A_455] : memref<3x32x1024xf32, #tpu.memory_space<vmem>>[vector<16xi32>, vector<16xi32>, vector<16xi32>], vector<16xf32>,
          %add3A_457 = arith.constant 16 : i32
          %add3A_458 = vector.broadcast %add3A_457 : i32 to vector<16xi32>
          %add3A_459 = arith.addi %iota3A, %add3A_458 : vector<16xi32>
          %gather3A_460 = tpu.vector_load_idx %arg8[%broadcast_in_dim3A, %add3A_459, %broadcast_in_dim3A_455] : memref<3x32x1024xf32, #tpu.memory_space<vmem>>[vector<16xi32>, vector<16xi32>, vector<16xi32>], vector<16xf32>,
          %swap3A_461 = arith.constant 11 : i32
          %swap3A_462 = arith.index_cast %select_n3A_229 : i32 to index
          %swap3A_463 = arith.index_cast %swap3A_461 : i32 to index
          %swap3A_464 = arith.constant 0 : index
          %swap3A_465 = tpu.vector_load %arg13[%swap3A_462, %swap3A_463, %swap3A_464] {strides = array<i32>} : memref<2x16x128xf32, #tpu.memory_space<vmem>>, vector<16xf32>,
          tpu.vector_store %arg13[%swap3A_462, %swap3A_463, %swap3A_464], %gather3A_456 {strides = array<i32>} : memref<2x16x128xf32, #tpu.memory_space<vmem>>, vector<16xf32>,
          %swap3A_466 = arith.constant 11 : i32
          %swap3A_467 = arith.index_cast %select_n3A_229 : i32 to index
          %swap3A_468 = arith.index_cast %swap3A_466 : i32 to index
          %swap3A_469 = arith.constant 16 : index
          %swap3A_470 = tpu.vector_load %arg13[%swap3A_467, %swap3A_468, %swap3A_469] {strides = array<i32>} : memref<2x16x128xf32, #tpu.memory_space<vmem>>, vector<16xf32>,
          tpu.vector_store %arg13[%swap3A_467, %swap3A_468, %swap3A_469], %gather3A_460 {strides = array<i32>} : memref<2x16x128xf32, #tpu.memory_space<vmem>>, vector<16xf32>,
          %slice3A_471 = vector.extract_strided_slice %min3A_250 {offsets = [12], sizes = [1], strides = [1]} : vector<16xi32> to vector<1xi32>
          %squeeze3A_472 = vector.extract %slice3A_471[0] : i32 from vector<1xi32>
          %broadcast_in_dim3A_473 = vector.broadcast %squeeze3A_472 : i32 to vector<16xi32>
          %gather3A_474 = tpu.vector_load_idx %arg8[%broadcast_in_dim3A, %iota3A, %broadcast_in_dim3A_473] : memref<3x32x1024xf32, #tpu.memory_space<vmem>>[vector<16xi32>, vector<16xi32>, vector<16xi32>], vector<16xf32>,
          %add3A_475 = arith.constant 16 : i32
          %add3A_476 = vector.broadcast %add3A_475 : i32 to vector<16xi32>
          %add3A_477 = arith.addi %iota3A, %add3A_476 : vector<16xi32>
          %gather3A_478 = tpu.vector_load_idx %arg8[%broadcast_in_dim3A, %add3A_477, %broadcast_in_dim3A_473] : memref<3x32x1024xf32, #tpu.memory_space<vmem>>[vector<16xi32>, vector<16xi32>, vector<16xi32>], vector<16xf32>,
          %swap3A_479 = arith.constant 12 : i32
          %swap3A_480 = arith.index_cast %select_n3A_229 : i32 to index
          %swap3A_481 = arith.index_cast %swap3A_479 : i32 to index
          %swap3A_482 = arith.constant 0 : index
          %swap3A_483 = tpu.vector_load %arg13[%swap3A_480, %swap3A_481, %swap3A_482] {strides = array<i32>} : memref<2x16x128xf32, #tpu.memory_space<vmem>>, vector<16xf32>,
          tpu.vector_store %arg13[%swap3A_480, %swap3A_481, %swap3A_482], %gather3A_474 {strides = array<i32>} : memref<2x16x128xf32, #tpu.memory_space<vmem>>, vector<16xf32>,
          %swap3A_484 = arith.constant 12 : i32
          %swap3A_485 = arith.index_cast %select_n3A_229 : i32 to index
          %swap3A_486 = arith.index_cast %swap3A_484 : i32 to index
          %swap3A_487 = arith.constant 16 : index
          %swap3A_488 = tpu.vector_load %arg13[%swap3A_485, %swap3A_486, %swap3A_487] {strides = array<i32>} : memref<2x16x128xf32, #tpu.memory_space<vmem>>, vector<16xf32>,
          tpu.vector_store %arg13[%swap3A_485, %swap3A_486, %swap3A_487], %gather3A_478 {strides = array<i32>} : memref<2x16x128xf32, #tpu.memory_space<vmem>>, vector<16xf32>,
          %slice3A_489 = vector.extract_strided_slice %min3A_250 {offsets = [13], sizes = [1], strides = [1]} : vector<16xi32> to vector<1xi32>
          %squeeze3A_490 = vector.extract %slice3A_489[0] : i32 from vector<1xi32>
          %broadcast_in_dim3A_491 = vector.broadcast %squeeze3A_490 : i32 to vector<16xi32>
          %gather3A_492 = tpu.vector_load_idx %arg8[%broadcast_in_dim3A, %iota3A, %broadcast_in_dim3A_491] : memref<3x32x1024xf32, #tpu.memory_space<vmem>>[vector<16xi32>, vector<16xi32>, vector<16xi32>], vector<16xf32>,
          %add3A_493 = arith.constant 16 : i32
          %add3A_494 = vector.broadcast %add3A_493 : i32 to vector<16xi32>
          %add3A_495 = arith.addi %iota3A, %add3A_494 : vector<16xi32>
          %gather3A_496 = tpu.vector_load_idx %arg8[%broadcast_in_dim3A, %add3A_495, %broadcast_in_dim3A_491] : memref<3x32x1024xf32, #tpu.memory_space<vmem>>[vector<16xi32>, vector<16xi32>, vector<16xi32>], vector<16xf32>,
          %swap3A_497 = arith.constant 13 : i32
          %swap3A_498 = arith.index_cast %select_n3A_229 : i32 to index
          %swap3A_499 = arith.index_cast %swap3A_497 : i32 to index
          %swap3A_500 = arith.constant 0 : index
          %swap3A_501 = tpu.vector_load %arg13[%swap3A_498, %swap3A_499, %swap3A_500] {strides = array<i32>} : memref<2x16x128xf32, #tpu.memory_space<vmem>>, vector<16xf32>,
          tpu.vector_store %arg13[%swap3A_498, %swap3A_499, %swap3A_500], %gather3A_492 {strides = array<i32>} : memref<2x16x128xf32, #tpu.memory_space<vmem>>, vector<16xf32>,
          %swap3A_502 = arith.constant 13 : i32
          %swap3A_503 = arith.index_cast %select_n3A_229 : i32 to index
          %swap3A_504 = arith.index_cast %swap3A_502 : i32 to index
          %swap3A_505 = arith.constant 16 : index
          %swap3A_506 = tpu.vector_load %arg13[%swap3A_503, %swap3A_504, %swap3A_505] {strides = array<i32>} : memref<2x16x128xf32, #tpu.memory_space<vmem>>, vector<16xf32>,
          tpu.vector_store %arg13[%swap3A_503, %swap3A_504, %swap3A_505], %gather3A_496 {strides = array<i32>} : memref<2x16x128xf32, #tpu.memory_space<vmem>>, vector<16xf32>,
          %slice3A_507 = vector.extract_strided_slice %min3A_250 {offsets = [14], sizes = [1], strides = [1]} : vector<16xi32> to vector<1xi32>
          %squeeze3A_508 = vector.extract %slice3A_507[0] : i32 from vector<1xi32>
          %broadcast_in_dim3A_509 = vector.broadcast %squeeze3A_508 : i32 to vector<16xi32>
          %gather3A_510 = tpu.vector_load_idx %arg8[%broadcast_in_dim3A, %iota3A, %broadcast_in_dim3A_509] : memref<3x32x1024xf32, #tpu.memory_space<vmem>>[vector<16xi32>, vector<16xi32>, vector<16xi32>], vector<16xf32>,
          %add3A_511 = arith.constant 16 : i32
          %add3A_512 = vector.broadcast %add3A_511 : i32 to vector<16xi32>
          %add3A_513 = arith.addi %iota3A, %add3A_512 : vector<16xi32>
          %gather3A_514 = tpu.vector_load_idx %arg8[%broadcast_in_dim3A, %add3A_513, %broadcast_in_dim3A_509] : memref<3x32x1024xf32, #tpu.memory_space<vmem>>[vector<16xi32>, vector<16xi32>, vector<16xi32>], vector<16xf32>,
          %swap3A_515 = arith.constant 14 : i32
          %swap3A_516 = arith.index_cast %select_n3A_229 : i32 to index
          %swap3A_517 = arith.index_cast %swap3A_515 : i32 to index
          %swap3A_518 = arith.constant 0 : index
          %swap3A_519 = tpu.vector_load %arg13[%swap3A_516, %swap3A_517, %swap3A_518] {strides = array<i32>} : memref<2x16x128xf32, #tpu.memory_space<vmem>>, vector<16xf32>,
          tpu.vector_store %arg13[%swap3A_516, %swap3A_517, %swap3A_518], %gather3A_510 {strides = array<i32>} : memref<2x16x128xf32, #tpu.memory_space<vmem>>, vector<16xf32>,
          %swap3A_520 = arith.constant 14 : i32
          %swap3A_521 = arith.index_cast %select_n3A_229 : i32 to index
          %swap3A_522 = arith.index_cast %swap3A_520 : i32 to index
          %swap3A_523 = arith.constant 16 : index
          %swap3A_524 = tpu.vector_load %arg13[%swap3A_521, %swap3A_522, %swap3A_523] {strides = array<i32>} : memref<2x16x128xf32, #tpu.memory_space<vmem>>, vector<16xf32>,
          tpu.vector_store %arg13[%swap3A_521, %swap3A_522, %swap3A_523], %gather3A_514 {strides = array<i32>} : memref<2x16x128xf32, #tpu.memory_space<vmem>>, vector<16xf32>,
          %slice3A_525 = vector.extract_strided_slice %min3A_250 {offsets = [15], sizes = [1], strides = [1]} : vector<16xi32> to vector<1xi32>
          %squeeze3A_526 = vector.extract %slice3A_525[0] : i32 from vector<1xi32>
          %broadcast_in_dim3A_527 = vector.broadcast %squeeze3A_526 : i32 to vector<16xi32>
          %gather3A_528 = tpu.vector_load_idx %arg8[%broadcast_in_dim3A, %iota3A, %broadcast_in_dim3A_527] : memref<3x32x1024xf32, #tpu.memory_space<vmem>>[vector<16xi32>, vector<16xi32>, vector<16xi32>], vector<16xf32>,
          %add3A_529 = arith.constant 16 : i32
          %add3A_530 = vector.broadcast %add3A_529 : i32 to vector<16xi32>
          %add3A_531 = arith.addi %iota3A, %add3A_530 : vector<16xi32>
          %gather3A_532 = tpu.vector_load_idx %arg8[%broadcast_in_dim3A, %add3A_531, %broadcast_in_dim3A_527] : memref<3x32x1024xf32, #tpu.memory_space<vmem>>[vector<16xi32>, vector<16xi32>, vector<16xi32>], vector<16xf32>,
          %swap3A_533 = arith.constant 15 : i32
          %swap3A_534 = arith.index_cast %select_n3A_229 : i32 to index
          %swap3A_535 = arith.index_cast %swap3A_533 : i32 to index
          %swap3A_536 = arith.constant 0 : index
          %swap3A_537 = tpu.vector_load %arg13[%swap3A_534, %swap3A_535, %swap3A_536] {strides = array<i32>} : memref<2x16x128xf32, #tpu.memory_space<vmem>>, vector<16xf32>,
          tpu.vector_store %arg13[%swap3A_534, %swap3A_535, %swap3A_536], %gather3A_528 {strides = array<i32>} : memref<2x16x128xf32, #tpu.memory_space<vmem>>, vector<16xf32>,
          %swap3A_538 = arith.constant 15 : i32
          %swap3A_539 = arith.index_cast %select_n3A_229 : i32 to index
          %swap3A_540 = arith.index_cast %swap3A_538 : i32 to index
          %swap3A_541 = arith.constant 16 : index
          %swap3A_542 = tpu.vector_load %arg13[%swap3A_539, %swap3A_540, %swap3A_541] {strides = array<i32>} : memref<2x16x128xf32, #tpu.memory_space<vmem>>, vector<16xf32>,
          tpu.vector_store %arg13[%swap3A_539, %swap3A_540, %swap3A_541], %gather3A_532 {strides = array<i32>} : memref<2x16x128xf32, #tpu.memory_space<vmem>>, vector<16xf32>,
          %dma_start3A = arith.constant 0 : i32
          %dma_start3A_543 = arith.constant 0 : i32
          %dma_start3A_544 = tpu.memref_slice %arg13[%select_n3A_229, %dma_start3A, %dma_start3A_543] : memref<2x16x128xf32, #tpu.memory_space<vmem>> -> memref<1x16x128xf32, #tpu.memory_space<vmem>>
          %dma_start3A_545 = tpu.memref_squeeze %dma_start3A_544 : memref<1x16x128xf32, #tpu.memory_space<vmem>> -> memref<16x128xf32, #tpu.memory_space<vmem>>
          %dma_start3A_546 = arith.constant 0 : i32
          %dma_start3A_547 = arith.constant 0 : i32
          %dma_start3A_548 = tpu.memref_slice %arg6[%dma_start3A_546, %dma_start3A_547] : memref<32832x128xf32, #tpu.memory_space<hbm>> -> memref<32832x128xf32, #tpu.memory_space<hbm>>
          tpu.enqueue_indirect_dma source(%dma_start3A_545 : memref<16x128xf32, #tpu.memory_space<vmem>>) target(%dma_start3A_548 : memref<32832x128xf32, #tpu.memory_space<hbm>>) offsets(%select_n3A_254 : vector<16xi32>) semaphore(%arg15 : memref<!tpu.dma_semaphore, #tpu.memory_space<semaphore_mem>>)
        }
        %while3A_200 = arith.constant 1 : i32
        scf.for %while3A_213 = %while3A_198 to %while3A_194 step %while3A_200  : i32 {
          %jit3A_214 = arith.constant 2 : i32
          %eq3A_215 = arith.constant 0 : i32
          %eq3A_216 = arith.cmpi eq, %jit3A_214, %eq3A_215 : i32
          %jit3A_217 = arith.constant 1 : i32
          %select_n3A_218 = arith.select %eq3A_216, %jit3A_217, %jit3A_214 : i32
          %rem3A_219 = arith.remsi %while3A_213, %select_n3A_218 : i32
          %ne3A_220 = arith.constant 0 : i32
          %ne3A_221 = arith.cmpi ne, %rem3A_219, %ne3A_220 : i32
          %lt3A_222 = arith.constant 0 : i32
          %lt3A_223 = arith.cmpi slt, %rem3A_219, %lt3A_222 : i32
          %lt3A_224 = arith.constant 0 : i32
          %lt3A_225 = arith.cmpi slt, %select_n3A_218, %lt3A_224 : i32
          %ne3A_226 = arith.xori %lt3A_223, %lt3A_225 : i1
          %and3A_227 = arith.andi %ne3A_226, %ne3A_221 : i1
          %add3A_228 = arith.addi %rem3A_219, %select_n3A_218 : i32
          %select_n3A_229 = arith.select %and3A_227, %add3A_228, %rem3A_219 : i32
          %mul3A_230 = arith.constant 16 : i32
          %mul3A_231 = arith.muli %while3A_213, %mul3A_230 : i32
          %get3A = arith.index_cast %mul3A_231 : i32 to index
          %get3A_232 = tpu.vector_load %arg11[%get3A] {strides = array<i32>} : memref<2832xi32, #tpu.memory_space<vmem>>, vector<16xi32>,
          %mul3A_233 = arith.constant 16 : i32
          %mul3A_234 = arith.muli %while3A_213, %mul3A_233 : i32
          %get3A_235 = arith.index_cast %mul3A_234 : i32 to index
          %get3A_236 = tpu.vector_load %arg12[%get3A_235] {strides = array<i32>} : memref<2832xi32, #tpu.memory_space<vmem>>, vector<16xi32>,
          %mul3A_237 = arith.constant 16 : i32
          %mul3A_238 = arith.muli %while3A_213, %mul3A_237 : i32
          %sub3A_239 = arith.subi %while3A_162, %mul3A_238 : i32
          %lt3A_240 = vector.broadcast %sub3A_239 : i32 to vector<16xi32>
          %lt3A_241 = arith.cmpi slt, %iota3A, %lt3A_240 : vector<16xi32>
          %mul3A_242 = arith.constant 1024 : i32
          %mul3A_243 = arith.muli %add3A_65, %mul3A_242 : i32
          %sub3A_244 = vector.broadcast %mul3A_243 : i32 to vector<16xi32>
          %sub3A_245 = arith.subi %get3A_232, %sub3A_244 : vector<16xi32>
          %jit3A_246 = arith.constant 0 : i32
          %jit3A_247 = arith.constant 1023 : i32
          %max3A = vector.broadcast %jit3A_246 : i32 to vector<16xi32>
          %max3A_248 = arith.maxsi %max3A, %sub3A_245 : vector<16xi32>
          %min3A_249 = vector.broadcast %jit3A_247 : i32 to vector<16xi32>
          %min3A_250 = arith.minsi %min3A_249, %max3A_248 : vector<16xi32>
          %add3A_251 = arith.constant 16384 : i32
          %add3A_252 = vector.broadcast %add3A_251 : i32 to vector<16xi32>
          %add3A_253 = arith.addi %add3A_252, %iota3A : vector<16xi32>
          %select_n3A_254 = arith.select %lt3A_241, %get3A_236, %add3A_253 : vector<16xi1>, vector<16xi32>
          %ge3A = arith.constant 2 : i32
          %ge3A_255 = arith.cmpi sge, %while3A_213, %ge3A : i32
          %convert_element_type3A_256 = arith.extui %ge3A_255 : i1 to i32
          %cond3A_257 = arith.constant 0 : i32
          %cond3A_258 = arith.cmpi ne, %convert_element_type3A_256, %cond3A_257 : i32
          scf.if %cond3A_258 {
            %dma_wait3A = arith.constant 0 : i32
            %dma_wait3A_549 = arith.constant 0 : i32
            %dma_wait3A_550 = arith.constant 0 : i32
            %dma_wait3A_551 = tpu.memref_slice %arg13[%dma_wait3A, %dma_wait3A_549, %dma_wait3A_550] : memref<2x16x128xf32, #tpu.memory_space<vmem>> -> memref<1x16x128xf32, #tpu.memory_space<vmem>>
            %dma_wait3A_552 = tpu.memref_squeeze %dma_wait3A_551 : memref<1x16x128xf32, #tpu.memory_space<vmem>> -> memref<16x128xf32, #tpu.memory_space<vmem>>
            %dma_wait3A_553 = arith.constant 0 : i32
            %dma_wait3A_554 = arith.constant 0 : i32
            %dma_wait3A_555 = tpu.memref_slice %arg6[%dma_wait3A_553, %dma_wait3A_554] : memref<32832x128xf32, #tpu.memory_space<hbm>> -> memref<16x128xf32, #tpu.memory_space<hbm>>
            %dma_wait3A_556 = arith.constant 0 : i32
            %dma_wait3A_557 = arith.constant 0 : i32
            %dma_wait3A_558 = tpu.memref_slice %arg13[%dma_wait3A, %dma_wait3A_556, %dma_wait3A_557] : memref<2x16x128xf32, #tpu.memory_space<vmem>> -> memref<1x16x128xf32, #tpu.memory_space<vmem>>
            %dma_wait3A_559 = tpu.memref_squeeze %dma_wait3A_558 : memref<1x16x128xf32, #tpu.memory_space<vmem>> -> memref<16x128xf32, #tpu.memory_space<vmem>>
            %dma_wait3A_560 = arith.constant 0 : i32
            %dma_wait3A_561 = arith.constant 0 : i32
            %dma_wait3A_562 = tpu.memref_slice %arg6[%dma_wait3A_560, %dma_wait3A_561] : memref<32832x128xf32, #tpu.memory_space<hbm>> -> memref<16x128xf32, #tpu.memory_space<hbm>>
            tpu.wait_dma2 semaphore(%arg15 : memref<!tpu.dma_semaphore, #tpu.memory_space<semaphore_mem>>) src(%dma_wait3A_562 : memref<16x128xf32, #tpu.memory_space<hbm>>) dst(%dma_wait3A_559 : memref<16x128xf32, #tpu.memory_space<vmem>>)
          } else {
          }
          %broadcast_in_dim3A = vector.broadcast %select_n3A_78 : i32 to vector<16xi32>
          %slice3A = vector.extract_strided_slice %min3A_250 {offsets = [0], sizes = [1], strides = [1]} : vector<16xi32> to vector<1xi32>
          %squeeze3A = vector.extract %slice3A[0] : i32 from vector<1xi32>
          %broadcast_in_dim3A_259 = vector.broadcast %squeeze3A : i32 to vector<16xi32>
          %gather3A = tpu.vector_load_idx %arg8[%broadcast_in_dim3A, %iota3A, %broadcast_in_dim3A_259] : memref<3x32x1024xf32, #tpu.memory_space<vmem>>[vector<16xi32>, vector<16xi32>, vector<16xi32>], vector<16xf32>,
          %add3A_260 = arith.constant 16 : i32
          %add3A_261 = vector.broadcast %add3A_260 : i32 to vector<16xi32>
          %add3A_262 = arith.addi %iota3A, %add3A_261 : vector<16xi32>
          %gather3A_263 = tpu.vector_load_idx %arg8[%broadcast_in_dim3A, %add3A_262, %broadcast_in_dim3A_259] : memref<3x32x1024xf32, #tpu.memory_space<vmem>>[vector<16xi32>, vector<16xi32>, vector<16xi32>], vector<16xf32>,
          %swap3A = arith.constant 0 : i32
          %swap3A_264 = arith.index_cast %select_n3A_229 : i32 to index
          %swap3A_265 = arith.index_cast %swap3A : i32 to index
          %swap3A_266 = arith.constant 0 : index
          %swap3A_267 = tpu.vector_load %arg13[%swap3A_264, %swap3A_265, %swap3A_266] {strides = array<i32>} : memref<2x16x128xf32, #tpu.memory_space<vmem>>, vector<16xf32>,
          tpu.vector_store %arg13[%swap3A_264, %swap3A_265, %swap3A_266], %gather3A {strides = array<i32>} : memref<2x16x128xf32, #tpu.memory_space<vmem>>, vector<16xf32>,
          %swap3A_268 = arith.constant 0 : i32
          %swap3A_269 = arith.index_cast %select_n3A_229 : i32 to index
          %swap3A_270 = arith.index_cast %swap3A_268 : i32 to index
          %swap3A_271 = arith.constant 16 : index
          %swap3A_272 = tpu.vector_load %arg13[%swap3A_269, %swap3A_270, %swap3A_271] {strides = array<i32>} : memref<2x16x128xf32, #tpu.memory_space<vmem>>, vector<16xf32>,
          tpu.vector_store %arg13[%swap3A_269, %swap3A_270, %swap3A_271], %gather3A_263 {strides = array<i32>} : memref<2x16x128xf32, #tpu.memory_space<vmem>>, vector<16xf32>,
          %slice3A_273 = vector.extract_strided_slice %min3A_250 {offsets = [1], sizes = [1], strides = [1]} : vector<16xi32> to vector<1xi32>
          %squeeze3A_274 = vector.extract %slice3A_273[0] : i32 from vector<1xi32>
          %broadcast_in_dim3A_275 = vector.broadcast %squeeze3A_274 : i32 to vector<16xi32>
          %gather3A_276 = tpu.vector_load_idx %arg8[%broadcast_in_dim3A, %iota3A, %broadcast_in_dim3A_275] : memref<3x32x1024xf32, #tpu.memory_space<vmem>>[vector<16xi32>, vector<16xi32>, vector<16xi32>], vector<16xf32>,
          %add3A_277 = arith.constant 16 : i32
          %add3A_278 = vector.broadcast %add3A_277 : i32 to vector<16xi32>
          %add3A_279 = arith.addi %iota3A, %add3A_278 : vector<16xi32>
          %gather3A_280 = tpu.vector_load_idx %arg8[%broadcast_in_dim3A, %add3A_279, %broadcast_in_dim3A_275] : memref<3x32x1024xf32, #tpu.memory_space<vmem>>[vector<16xi32>, vector<16xi32>, vector<16xi32>], vector<16xf32>,
          %swap3A_281 = arith.constant 1 : i32
          %swap3A_282 = arith.index_cast %select_n3A_229 : i32 to index
          %swap3A_283 = arith.index_cast %swap3A_281 : i32 to index
          %swap3A_284 = arith.constant 0 : index
          %swap3A_285 = tpu.vector_load %arg13[%swap3A_282, %swap3A_283, %swap3A_284] {strides = array<i32>} : memref<2x16x128xf32, #tpu.memory_space<vmem>>, vector<16xf32>,
          tpu.vector_store %arg13[%swap3A_282, %swap3A_283, %swap3A_284], %gather3A_276 {strides = array<i32>} : memref<2x16x128xf32, #tpu.memory_space<vmem>>, vector<16xf32>,
          %swap3A_286 = arith.constant 1 : i32
          %swap3A_287 = arith.index_cast %select_n3A_229 : i32 to index
          %swap3A_288 = arith.index_cast %swap3A_286 : i32 to index
          %swap3A_289 = arith.constant 16 : index
          %swap3A_290 = tpu.vector_load %arg13[%swap3A_287, %swap3A_288, %swap3A_289] {strides = array<i32>} : memref<2x16x128xf32, #tpu.memory_space<vmem>>, vector<16xf32>,
          tpu.vector_store %arg13[%swap3A_287, %swap3A_288, %swap3A_289], %gather3A_280 {strides = array<i32>} : memref<2x16x128xf32, #tpu.memory_space<vmem>>, vector<16xf32>,
          %slice3A_291 = vector.extract_strided_slice %min3A_250 {offsets = [2], sizes = [1], strides = [1]} : vector<16xi32> to vector<1xi32>
          %squeeze3A_292 = vector.extract %slice3A_291[0] : i32 from vector<1xi32>
          %broadcast_in_dim3A_293 = vector.broadcast %squeeze3A_292 : i32 to vector<16xi32>
          %gather3A_294 = tpu.vector_load_idx %arg8[%broadcast_in_dim3A, %iota3A, %broadcast_in_dim3A_293] : memref<3x32x1024xf32, #tpu.memory_space<vmem>>[vector<16xi32>, vector<16xi32>, vector<16xi32>], vector<16xf32>,
          %add3A_295 = arith.constant 16 : i32
          %add3A_296 = vector.broadcast %add3A_295 : i32 to vector<16xi32>
          %add3A_297 = arith.addi %iota3A, %add3A_296 : vector<16xi32>
          %gather3A_298 = tpu.vector_load_idx %arg8[%broadcast_in_dim3A, %add3A_297, %broadcast_in_dim3A_293] : memref<3x32x1024xf32, #tpu.memory_space<vmem>>[vector<16xi32>, vector<16xi32>, vector<16xi32>], vector<16xf32>,
          %swap3A_299 = arith.constant 2 : i32
          %swap3A_300 = arith.index_cast %select_n3A_229 : i32 to index
          %swap3A_301 = arith.index_cast %swap3A_299 : i32 to index
          %swap3A_302 = arith.constant 0 : index
          %swap3A_303 = tpu.vector_load %arg13[%swap3A_300, %swap3A_301, %swap3A_302] {strides = array<i32>} : memref<2x16x128xf32, #tpu.memory_space<vmem>>, vector<16xf32>,
          tpu.vector_store %arg13[%swap3A_300, %swap3A_301, %swap3A_302], %gather3A_294 {strides = array<i32>} : memref<2x16x128xf32, #tpu.memory_space<vmem>>, vector<16xf32>,
          %swap3A_304 = arith.constant 2 : i32
          %swap3A_305 = arith.index_cast %select_n3A_229 : i32 to index
          %swap3A_306 = arith.index_cast %swap3A_304 : i32 to index
          %swap3A_307 = arith.constant 16 : index
          %swap3A_308 = tpu.vector_load %arg13[%swap3A_305, %swap3A_306, %swap3A_307] {strides = array<i32>} : memref<2x16x128xf32, #tpu.memory_space<vmem>>, vector<16xf32>,
          tpu.vector_store %arg13[%swap3A_305, %swap3A_306, %swap3A_307], %gather3A_298 {strides = array<i32>} : memref<2x16x128xf32, #tpu.memory_space<vmem>>, vector<16xf32>,
          %slice3A_309 = vector.extract_strided_slice %min3A_250 {offsets = [3], sizes = [1], strides = [1]} : vector<16xi32> to vector<1xi32>
          %squeeze3A_310 = vector.extract %slice3A_309[0] : i32 from vector<1xi32>
          %broadcast_in_dim3A_311 = vector.broadcast %squeeze3A_310 : i32 to vector<16xi32>
          %gather3A_312 = tpu.vector_load_idx %arg8[%broadcast_in_dim3A, %iota3A, %broadcast_in_dim3A_311] : memref<3x32x1024xf32, #tpu.memory_space<vmem>>[vector<16xi32>, vector<16xi32>, vector<16xi32>], vector<16xf32>,
          %add3A_313 = arith.constant 16 : i32
          %add3A_314 = vector.broadcast %add3A_313 : i32 to vector<16xi32>
          %add3A_315 = arith.addi %iota3A, %add3A_314 : vector<16xi32>
          %gather3A_316 = tpu.vector_load_idx %arg8[%broadcast_in_dim3A, %add3A_315, %broadcast_in_dim3A_311] : memref<3x32x1024xf32, #tpu.memory_space<vmem>>[vector<16xi32>, vector<16xi32>, vector<16xi32>], vector<16xf32>,
          %swap3A_317 = arith.constant 3 : i32
          %swap3A_318 = arith.index_cast %select_n3A_229 : i32 to index
          %swap3A_319 = arith.index_cast %swap3A_317 : i32 to index
          %swap3A_320 = arith.constant 0 : index
          %swap3A_321 = tpu.vector_load %arg13[%swap3A_318, %swap3A_319, %swap3A_320] {strides = array<i32>} : memref<2x16x128xf32, #tpu.memory_space<vmem>>, vector<16xf32>,
          tpu.vector_store %arg13[%swap3A_318, %swap3A_319, %swap3A_320], %gather3A_312 {strides = array<i32>} : memref<2x16x128xf32, #tpu.memory_space<vmem>>, vector<16xf32>,
          %swap3A_322 = arith.constant 3 : i32
          %swap3A_323 = arith.index_cast %select_n3A_229 : i32 to index
          %swap3A_324 = arith.index_cast %swap3A_322 : i32 to index
          %swap3A_325 = arith.constant 16 : index
          %swap3A_326 = tpu.vector_load %arg13[%swap3A_323, %swap3A_324, %swap3A_325] {strides = array<i32>} : memref<2x16x128xf32, #tpu.memory_space<vmem>>, vector<16xf32>,
          tpu.vector_store %arg13[%swap3A_323, %swap3A_324, %swap3A_325], %gather3A_316 {strides = array<i32>} : memref<2x16x128xf32, #tpu.memory_space<vmem>>, vector<16xf32>,
          %slice3A_327 = vector.extract_strided_slice %min3A_250 {offsets = [4], sizes = [1], strides = [1]} : vector<16xi32> to vector<1xi32>
          %squeeze3A_328 = vector.extract %slice3A_327[0] : i32 from vector<1xi32>
          %broadcast_in_dim3A_329 = vector.broadcast %squeeze3A_328 : i32 to vector<16xi32>
          %gather3A_330 = tpu.vector_load_idx %arg8[%broadcast_in_dim3A, %iota3A, %broadcast_in_dim3A_329] : memref<3x32x1024xf32, #tpu.memory_space<vmem>>[vector<16xi32>, vector<16xi32>, vector<16xi32>], vector<16xf32>,
          %add3A_331 = arith.constant 16 : i32
          %add3A_332 = vector.broadcast %add3A_331 : i32 to vector<16xi32>
          %add3A_333 = arith.addi %iota3A, %add3A_332 : vector<16xi32>
          %gather3A_334 = tpu.vector_load_idx %arg8[%broadcast_in_dim3A, %add3A_333, %broadcast_in_dim3A_329] : memref<3x32x1024xf32, #tpu.memory_space<vmem>>[vector<16xi32>, vector<16xi32>, vector<16xi32>], vector<16xf32>,
          %swap3A_335 = arith.constant 4 : i32
          %swap3A_336 = arith.index_cast %select_n3A_229 : i32 to index
          %swap3A_337 = arith.index_cast %swap3A_335 : i32 to index
          %swap3A_338 = arith.constant 0 : index
          %swap3A_339 = tpu.vector_load %arg13[%swap3A_336, %swap3A_337, %swap3A_338] {strides = array<i32>} : memref<2x16x128xf32, #tpu.memory_space<vmem>>, vector<16xf32>,
          tpu.vector_store %arg13[%swap3A_336, %swap3A_337, %swap3A_338], %gather3A_330 {strides = array<i32>} : memref<2x16x128xf32, #tpu.memory_space<vmem>>, vector<16xf32>,
          %swap3A_340 = arith.constant 4 : i32
          %swap3A_341 = arith.index_cast %select_n3A_229 : i32 to index
          %swap3A_342 = arith.index_cast %swap3A_340 : i32 to index
          %swap3A_343 = arith.constant 16 : index
          %swap3A_344 = tpu.vector_load %arg13[%swap3A_341, %swap3A_342, %swap3A_343] {strides = array<i32>} : memref<2x16x128xf32, #tpu.memory_space<vmem>>, vector<16xf32>,
          tpu.vector_store %arg13[%swap3A_341, %swap3A_342, %swap3A_343], %gather3A_334 {strides = array<i32>} : memref<2x16x128xf32, #tpu.memory_space<vmem>>, vector<16xf32>,
          %slice3A_345 = vector.extract_strided_slice %min3A_250 {offsets = [5], sizes = [1], strides = [1]} : vector<16xi32> to vector<1xi32>
          %squeeze3A_346 = vector.extract %slice3A_345[0] : i32 from vector<1xi32>
          %broadcast_in_dim3A_347 = vector.broadcast %squeeze3A_346 : i32 to vector<16xi32>
          %gather3A_348 = tpu.vector_load_idx %arg8[%broadcast_in_dim3A, %iota3A, %broadcast_in_dim3A_347] : memref<3x32x1024xf32, #tpu.memory_space<vmem>>[vector<16xi32>, vector<16xi32>, vector<16xi32>], vector<16xf32>,
          %add3A_349 = arith.constant 16 : i32
          %add3A_350 = vector.broadcast %add3A_349 : i32 to vector<16xi32>
          %add3A_351 = arith.addi %iota3A, %add3A_350 : vector<16xi32>
          %gather3A_352 = tpu.vector_load_idx %arg8[%broadcast_in_dim3A, %add3A_351, %broadcast_in_dim3A_347] : memref<3x32x1024xf32, #tpu.memory_space<vmem>>[vector<16xi32>, vector<16xi32>, vector<16xi32>], vector<16xf32>,
          %swap3A_353 = arith.constant 5 : i32
          %swap3A_354 = arith.index_cast %select_n3A_229 : i32 to index
          %swap3A_355 = arith.index_cast %swap3A_353 : i32 to index
          %swap3A_356 = arith.constant 0 : index
          %swap3A_357 = tpu.vector_load %arg13[%swap3A_354, %swap3A_355, %swap3A_356] {strides = array<i32>} : memref<2x16x128xf32, #tpu.memory_space<vmem>>, vector<16xf32>,
          tpu.vector_store %arg13[%swap3A_354, %swap3A_355, %swap3A_356], %gather3A_348 {strides = array<i32>} : memref<2x16x128xf32, #tpu.memory_space<vmem>>, vector<16xf32>,
          %swap3A_358 = arith.constant 5 : i32
          %swap3A_359 = arith.index_cast %select_n3A_229 : i32 to index
          %swap3A_360 = arith.index_cast %swap3A_358 : i32 to index
          %swap3A_361 = arith.constant 16 : index
          %swap3A_362 = tpu.vector_load %arg13[%swap3A_359, %swap3A_360, %swap3A_361] {strides = array<i32>} : memref<2x16x128xf32, #tpu.memory_space<vmem>>, vector<16xf32>,
          tpu.vector_store %arg13[%swap3A_359, %swap3A_360, %swap3A_361], %gather3A_352 {strides = array<i32>} : memref<2x16x128xf32, #tpu.memory_space<vmem>>, vector<16xf32>,
          %slice3A_363 = vector.extract_strided_slice %min3A_250 {offsets = [6], sizes = [1], strides = [1]} : vector<16xi32> to vector<1xi32>
          %squeeze3A_364 = vector.extract %slice3A_363[0] : i32 from vector<1xi32>
          %broadcast_in_dim3A_365 = vector.broadcast %squeeze3A_364 : i32 to vector<16xi32>
          %gather3A_366 = tpu.vector_load_idx %arg8[%broadcast_in_dim3A, %iota3A, %broadcast_in_dim3A_365] : memref<3x32x1024xf32, #tpu.memory_space<vmem>>[vector<16xi32>, vector<16xi32>, vector<16xi32>], vector<16xf32>,
          %add3A_367 = arith.constant 16 : i32
          %add3A_368 = vector.broadcast %add3A_367 : i32 to vector<16xi32>
          %add3A_369 = arith.addi %iota3A, %add3A_368 : vector<16xi32>
          %gather3A_370 = tpu.vector_load_idx %arg8[%broadcast_in_dim3A, %add3A_369, %broadcast_in_dim3A_365] : memref<3x32x1024xf32, #tpu.memory_space<vmem>>[vector<16xi32>, vector<16xi32>, vector<16xi32>], vector<16xf32>,
          %swap3A_371 = arith.constant 6 : i32
          %swap3A_372 = arith.index_cast %select_n3A_229 : i32 to index
          %swap3A_373 = arith.index_cast %swap3A_371 : i32 to index
          %swap3A_374 = arith.constant 0 : index
          %swap3A_375 = tpu.vector_load %arg13[%swap3A_372, %swap3A_373, %swap3A_374] {strides = array<i32>} : memref<2x16x128xf32, #tpu.memory_space<vmem>>, vector<16xf32>,
          tpu.vector_store %arg13[%swap3A_372, %swap3A_373, %swap3A_374], %gather3A_366 {strides = array<i32>} : memref<2x16x128xf32, #tpu.memory_space<vmem>>, vector<16xf32>,
          %swap3A_376 = arith.constant 6 : i32
          %swap3A_377 = arith.index_cast %select_n3A_229 : i32 to index
          %swap3A_378 = arith.index_cast %swap3A_376 : i32 to index
          %swap3A_379 = arith.constant 16 : index
          %swap3A_380 = tpu.vector_load %arg13[%swap3A_377, %swap3A_378, %swap3A_379] {strides = array<i32>} : memref<2x16x128xf32, #tpu.memory_space<vmem>>, vector<16xf32>,
          tpu.vector_store %arg13[%swap3A_377, %swap3A_378, %swap3A_379], %gather3A_370 {strides = array<i32>} : memref<2x16x128xf32, #tpu.memory_space<vmem>>, vector<16xf32>,
          %slice3A_381 = vector.extract_strided_slice %min3A_250 {offsets = [7], sizes = [1], strides = [1]} : vector<16xi32> to vector<1xi32>
          %squeeze3A_382 = vector.extract %slice3A_381[0] : i32 from vector<1xi32>
          %broadcast_in_dim3A_383 = vector.broadcast %squeeze3A_382 : i32 to vector<16xi32>
          %gather3A_384 = tpu.vector_load_idx %arg8[%broadcast_in_dim3A, %iota3A, %broadcast_in_dim3A_383] : memref<3x32x1024xf32, #tpu.memory_space<vmem>>[vector<16xi32>, vector<16xi32>, vector<16xi32>], vector<16xf32>,
          %add3A_385 = arith.constant 16 : i32
          %add3A_386 = vector.broadcast %add3A_385 : i32 to vector<16xi32>
          %add3A_387 = arith.addi %iota3A, %add3A_386 : vector<16xi32>
          %gather3A_388 = tpu.vector_load_idx %arg8[%broadcast_in_dim3A, %add3A_387, %broadcast_in_dim3A_383] : memref<3x32x1024xf32, #tpu.memory_space<vmem>>[vector<16xi32>, vector<16xi32>, vector<16xi32>], vector<16xf32>,
          %swap3A_389 = arith.constant 7 : i32
          %swap3A_390 = arith.index_cast %select_n3A_229 : i32 to index
          %swap3A_391 = arith.index_cast %swap3A_389 : i32 to index
          %swap3A_392 = arith.constant 0 : index
          %swap3A_393 = tpu.vector_load %arg13[%swap3A_390, %swap3A_391, %swap3A_392] {strides = array<i32>} : memref<2x16x128xf32, #tpu.memory_space<vmem>>, vector<16xf32>,
          tpu.vector_store %arg13[%swap3A_390, %swap3A_391, %swap3A_392], %gather3A_384 {strides = array<i32>} : memref<2x16x128xf32, #tpu.memory_space<vmem>>, vector<16xf32>,
          %swap3A_394 = arith.constant 7 : i32
          %swap3A_395 = arith.index_cast %select_n3A_229 : i32 to index
          %swap3A_396 = arith.index_cast %swap3A_394 : i32 to index
          %swap3A_397 = arith.constant 16 : index
          %swap3A_398 = tpu.vector_load %arg13[%swap3A_395, %swap3A_396, %swap3A_397] {strides = array<i32>} : memref<2x16x128xf32, #tpu.memory_space<vmem>>, vector<16xf32>,
          tpu.vector_store %arg13[%swap3A_395, %swap3A_396, %swap3A_397], %gather3A_388 {strides = array<i32>} : memref<2x16x128xf32, #tpu.memory_space<vmem>>, vector<16xf32>,
          %slice3A_399 = vector.extract_strided_slice %min3A_250 {offsets = [8], sizes = [1], strides = [1]} : vector<16xi32> to vector<1xi32>
          %squeeze3A_400 = vector.extract %slice3A_399[0] : i32 from vector<1xi32>
          %broadcast_in_dim3A_401 = vector.broadcast %squeeze3A_400 : i32 to vector<16xi32>
          %gather3A_402 = tpu.vector_load_idx %arg8[%broadcast_in_dim3A, %iota3A, %broadcast_in_dim3A_401] : memref<3x32x1024xf32, #tpu.memory_space<vmem>>[vector<16xi32>, vector<16xi32>, vector<16xi32>], vector<16xf32>,
          %add3A_403 = arith.constant 16 : i32
          %add3A_404 = vector.broadcast %add3A_403 : i32 to vector<16xi32>
          %add3A_405 = arith.addi %iota3A, %add3A_404 : vector<16xi32>
          %gather3A_406 = tpu.vector_load_idx %arg8[%broadcast_in_dim3A, %add3A_405, %broadcast_in_dim3A_401] : memref<3x32x1024xf32, #tpu.memory_space<vmem>>[vector<16xi32>, vector<16xi32>, vector<16xi32>], vector<16xf32>,
          %swap3A_407 = arith.constant 8 : i32
          %swap3A_408 = arith.index_cast %select_n3A_229 : i32 to index
          %swap3A_409 = arith.index_cast %swap3A_407 : i32 to index
          %swap3A_410 = arith.constant 0 : index
          %swap3A_411 = tpu.vector_load %arg13[%swap3A_408, %swap3A_409, %swap3A_410] {strides = array<i32>} : memref<2x16x128xf32, #tpu.memory_space<vmem>>, vector<16xf32>,
          tpu.vector_store %arg13[%swap3A_408, %swap3A_409, %swap3A_410], %gather3A_402 {strides = array<i32>} : memref<2x16x128xf32, #tpu.memory_space<vmem>>, vector<16xf32>,
          %swap3A_412 = arith.constant 8 : i32
          %swap3A_413 = arith.index_cast %select_n3A_229 : i32 to index
          %swap3A_414 = arith.index_cast %swap3A_412 : i32 to index
          %swap3A_415 = arith.constant 16 : index
          %swap3A_416 = tpu.vector_load %arg13[%swap3A_413, %swap3A_414, %swap3A_415] {strides = array<i32>} : memref<2x16x128xf32, #tpu.memory_space<vmem>>, vector<16xf32>,
          tpu.vector_store %arg13[%swap3A_413, %swap3A_414, %swap3A_415], %gather3A_406 {strides = array<i32>} : memref<2x16x128xf32, #tpu.memory_space<vmem>>, vector<16xf32>,
          %slice3A_417 = vector.extract_strided_slice %min3A_250 {offsets = [9], sizes = [1], strides = [1]} : vector<16xi32> to vector<1xi32>
          %squeeze3A_418 = vector.extract %slice3A_417[0] : i32 from vector<1xi32>
          %broadcast_in_dim3A_419 = vector.broadcast %squeeze3A_418 : i32 to vector<16xi32>
          %gather3A_420 = tpu.vector_load_idx %arg8[%broadcast_in_dim3A, %iota3A, %broadcast_in_dim3A_419] : memref<3x32x1024xf32, #tpu.memory_space<vmem>>[vector<16xi32>, vector<16xi32>, vector<16xi32>], vector<16xf32>,
          %add3A_421 = arith.constant 16 : i32
          %add3A_422 = vector.broadcast %add3A_421 : i32 to vector<16xi32>
          %add3A_423 = arith.addi %iota3A, %add3A_422 : vector<16xi32>
          %gather3A_424 = tpu.vector_load_idx %arg8[%broadcast_in_dim3A, %add3A_423, %broadcast_in_dim3A_419] : memref<3x32x1024xf32, #tpu.memory_space<vmem>>[vector<16xi32>, vector<16xi32>, vector<16xi32>], vector<16xf32>,
          %swap3A_425 = arith.constant 9 : i32
          %swap3A_426 = arith.index_cast %select_n3A_229 : i32 to index
          %swap3A_427 = arith.index_cast %swap3A_425 : i32 to index
          %swap3A_428 = arith.constant 0 : index
          %swap3A_429 = tpu.vector_load %arg13[%swap3A_426, %swap3A_427, %swap3A_428] {strides = array<i32>} : memref<2x16x128xf32, #tpu.memory_space<vmem>>, vector<16xf32>,
          tpu.vector_store %arg13[%swap3A_426, %swap3A_427, %swap3A_428], %gather3A_420 {strides = array<i32>} : memref<2x16x128xf32, #tpu.memory_space<vmem>>, vector<16xf32>,
          %swap3A_430 = arith.constant 9 : i32
          %swap3A_431 = arith.index_cast %select_n3A_229 : i32 to index
          %swap3A_432 = arith.index_cast %swap3A_430 : i32 to index
          %swap3A_433 = arith.constant 16 : index
          %swap3A_434 = tpu.vector_load %arg13[%swap3A_431, %swap3A_432, %swap3A_433] {strides = array<i32>} : memref<2x16x128xf32, #tpu.memory_space<vmem>>, vector<16xf32>,
          tpu.vector_store %arg13[%swap3A_431, %swap3A_432, %swap3A_433], %gather3A_424 {strides = array<i32>} : memref<2x16x128xf32, #tpu.memory_space<vmem>>, vector<16xf32>,
          %slice3A_435 = vector.extract_strided_slice %min3A_250 {offsets = [10], sizes = [1], strides = [1]} : vector<16xi32> to vector<1xi32>
          %squeeze3A_436 = vector.extract %slice3A_435[0] : i32 from vector<1xi32>
          %broadcast_in_dim3A_437 = vector.broadcast %squeeze3A_436 : i32 to vector<16xi32>
          %gather3A_438 = tpu.vector_load_idx %arg8[%broadcast_in_dim3A, %iota3A, %broadcast_in_dim3A_437] : memref<3x32x1024xf32, #tpu.memory_space<vmem>>[vector<16xi32>, vector<16xi32>, vector<16xi32>], vector<16xf32>,
          %add3A_439 = arith.constant 16 : i32
          %add3A_440 = vector.broadcast %add3A_439 : i32 to vector<16xi32>
          %add3A_441 = arith.addi %iota3A, %add3A_440 : vector<16xi32>
          %gather3A_442 = tpu.vector_load_idx %arg8[%broadcast_in_dim3A, %add3A_441, %broadcast_in_dim3A_437] : memref<3x32x1024xf32, #tpu.memory_space<vmem>>[vector<16xi32>, vector<16xi32>, vector<16xi32>], vector<16xf32>,
          %swap3A_443 = arith.constant 10 : i32
          %swap3A_444 = arith.index_cast %select_n3A_229 : i32 to index
          %swap3A_445 = arith.index_cast %swap3A_443 : i32 to index
          %swap3A_446 = arith.constant 0 : index
          %swap3A_447 = tpu.vector_load %arg13[%swap3A_444, %swap3A_445, %swap3A_446] {strides = array<i32>} : memref<2x16x128xf32, #tpu.memory_space<vmem>>, vector<16xf32>,
          tpu.vector_store %arg13[%swap3A_444, %swap3A_445, %swap3A_446], %gather3A_438 {strides = array<i32>} : memref<2x16x128xf32, #tpu.memory_space<vmem>>, vector<16xf32>,
          %swap3A_448 = arith.constant 10 : i32
          %swap3A_449 = arith.index_cast %select_n3A_229 : i32 to index
          %swap3A_450 = arith.index_cast %swap3A_448 : i32 to index
          %swap3A_451 = arith.constant 16 : index
          %swap3A_452 = tpu.vector_load %arg13[%swap3A_449, %swap3A_450, %swap3A_451] {strides = array<i32>} : memref<2x16x128xf32, #tpu.memory_space<vmem>>, vector<16xf32>,
          tpu.vector_store %arg13[%swap3A_449, %swap3A_450, %swap3A_451], %gather3A_442 {strides = array<i32>} : memref<2x16x128xf32, #tpu.memory_space<vmem>>, vector<16xf32>,
          %slice3A_453 = vector.extract_strided_slice %min3A_250 {offsets = [11], sizes = [1], strides = [1]} : vector<16xi32> to vector<1xi32>
          %squeeze3A_454 = vector.extract %slice3A_453[0] : i32 from vector<1xi32>
          %broadcast_in_dim3A_455 = vector.broadcast %squeeze3A_454 : i32 to vector<16xi32>
          %gather3A_456 = tpu.vector_load_idx %arg8[%broadcast_in_dim3A, %iota3A, %broadcast_in_dim3A_455] : memref<3x32x1024xf32, #tpu.memory_space<vmem>>[vector<16xi32>, vector<16xi32>, vector<16xi32>], vector<16xf32>,
          %add3A_457 = arith.constant 16 : i32
          %add3A_458 = vector.broadcast %add3A_457 : i32 to vector<16xi32>
          %add3A_459 = arith.addi %iota3A, %add3A_458 : vector<16xi32>
          %gather3A_460 = tpu.vector_load_idx %arg8[%broadcast_in_dim3A, %add3A_459, %broadcast_in_dim3A_455] : memref<3x32x1024xf32, #tpu.memory_space<vmem>>[vector<16xi32>, vector<16xi32>, vector<16xi32>], vector<16xf32>,
          %swap3A_461 = arith.constant 11 : i32
          %swap3A_462 = arith.index_cast %select_n3A_229 : i32 to index
          %swap3A_463 = arith.index_cast %swap3A_461 : i32 to index
          %swap3A_464 = arith.constant 0 : index
          %swap3A_465 = tpu.vector_load %arg13[%swap3A_462, %swap3A_463, %swap3A_464] {strides = array<i32>} : memref<2x16x128xf32, #tpu.memory_space<vmem>>, vector<16xf32>,
          tpu.vector_store %arg13[%swap3A_462, %swap3A_463, %swap3A_464], %gather3A_456 {strides = array<i32>} : memref<2x16x128xf32, #tpu.memory_space<vmem>>, vector<16xf32>,
          %swap3A_466 = arith.constant 11 : i32
          %swap3A_467 = arith.index_cast %select_n3A_229 : i32 to index
          %swap3A_468 = arith.index_cast %swap3A_466 : i32 to index
          %swap3A_469 = arith.constant 16 : index
          %swap3A_470 = tpu.vector_load %arg13[%swap3A_467, %swap3A_468, %swap3A_469] {strides = array<i32>} : memref<2x16x128xf32, #tpu.memory_space<vmem>>, vector<16xf32>,
          tpu.vector_store %arg13[%swap3A_467, %swap3A_468, %swap3A_469], %gather3A_460 {strides = array<i32>} : memref<2x16x128xf32, #tpu.memory_space<vmem>>, vector<16xf32>,
          %slice3A_471 = vector.extract_strided_slice %min3A_250 {offsets = [12], sizes = [1], strides = [1]} : vector<16xi32> to vector<1xi32>
          %squeeze3A_472 = vector.extract %slice3A_471[0] : i32 from vector<1xi32>
          %broadcast_in_dim3A_473 = vector.broadcast %squeeze3A_472 : i32 to vector<16xi32>
          %gather3A_474 = tpu.vector_load_idx %arg8[%broadcast_in_dim3A, %iota3A, %broadcast_in_dim3A_473] : memref<3x32x1024xf32, #tpu.memory_space<vmem>>[vector<16xi32>, vector<16xi32>, vector<16xi32>], vector<16xf32>,
          %add3A_475 = arith.constant 16 : i32
          %add3A_476 = vector.broadcast %add3A_475 : i32 to vector<16xi32>
          %add3A_477 = arith.addi %iota3A, %add3A_476 : vector<16xi32>
          %gather3A_478 = tpu.vector_load_idx %arg8[%broadcast_in_dim3A, %add3A_477, %broadcast_in_dim3A_473] : memref<3x32x1024xf32, #tpu.memory_space<vmem>>[vector<16xi32>, vector<16xi32>, vector<16xi32>], vector<16xf32>,
          %swap3A_479 = arith.constant 12 : i32
          %swap3A_480 = arith.index_cast %select_n3A_229 : i32 to index
          %swap3A_481 = arith.index_cast %swap3A_479 : i32 to index
          %swap3A_482 = arith.constant 0 : index
          %swap3A_483 = tpu.vector_load %arg13[%swap3A_480, %swap3A_481, %swap3A_482] {strides = array<i32>} : memref<2x16x128xf32, #tpu.memory_space<vmem>>, vector<16xf32>,
          tpu.vector_store %arg13[%swap3A_480, %swap3A_481, %swap3A_482], %gather3A_474 {strides = array<i32>} : memref<2x16x128xf32, #tpu.memory_space<vmem>>, vector<16xf32>,
          %swap3A_484 = arith.constant 12 : i32
          %swap3A_485 = arith.index_cast %select_n3A_229 : i32 to index
          %swap3A_486 = arith.index_cast %swap3A_484 : i32 to index
          %swap3A_487 = arith.constant 16 : index
          %swap3A_488 = tpu.vector_load %arg13[%swap3A_485, %swap3A_486, %swap3A_487] {strides = array<i32>} : memref<2x16x128xf32, #tpu.memory_space<vmem>>, vector<16xf32>,
          tpu.vector_store %arg13[%swap3A_485, %swap3A_486, %swap3A_487], %gather3A_478 {strides = array<i32>} : memref<2x16x128xf32, #tpu.memory_space<vmem>>, vector<16xf32>,
          %slice3A_489 = vector.extract_strided_slice %min3A_250 {offsets = [13], sizes = [1], strides = [1]} : vector<16xi32> to vector<1xi32>
          %squeeze3A_490 = vector.extract %slice3A_489[0] : i32 from vector<1xi32>
          %broadcast_in_dim3A_491 = vector.broadcast %squeeze3A_490 : i32 to vector<16xi32>
          %gather3A_492 = tpu.vector_load_idx %arg8[%broadcast_in_dim3A, %iota3A, %broadcast_in_dim3A_491] : memref<3x32x1024xf32, #tpu.memory_space<vmem>>[vector<16xi32>, vector<16xi32>, vector<16xi32>], vector<16xf32>,
          %add3A_493 = arith.constant 16 : i32
          %add3A_494 = vector.broadcast %add3A_493 : i32 to vector<16xi32>
          %add3A_495 = arith.addi %iota3A, %add3A_494 : vector<16xi32>
          %gather3A_496 = tpu.vector_load_idx %arg8[%broadcast_in_dim3A, %add3A_495, %broadcast_in_dim3A_491] : memref<3x32x1024xf32, #tpu.memory_space<vmem>>[vector<16xi32>, vector<16xi32>, vector<16xi32>], vector<16xf32>,
          %swap3A_497 = arith.constant 13 : i32
          %swap3A_498 = arith.index_cast %select_n3A_229 : i32 to index
          %swap3A_499 = arith.index_cast %swap3A_497 : i32 to index
          %swap3A_500 = arith.constant 0 : index
          %swap3A_501 = tpu.vector_load %arg13[%swap3A_498, %swap3A_499, %swap3A_500] {strides = array<i32>} : memref<2x16x128xf32, #tpu.memory_space<vmem>>, vector<16xf32>,
          tpu.vector_store %arg13[%swap3A_498, %swap3A_499, %swap3A_500], %gather3A_492 {strides = array<i32>} : memref<2x16x128xf32, #tpu.memory_space<vmem>>, vector<16xf32>,
          %swap3A_502 = arith.constant 13 : i32
          %swap3A_503 = arith.index_cast %select_n3A_229 : i32 to index
          %swap3A_504 = arith.index_cast %swap3A_502 : i32 to index
          %swap3A_505 = arith.constant 16 : index
          %swap3A_506 = tpu.vector_load %arg13[%swap3A_503, %swap3A_504, %swap3A_505] {strides = array<i32>} : memref<2x16x128xf32, #tpu.memory_space<vmem>>, vector<16xf32>,
          tpu.vector_store %arg13[%swap3A_503, %swap3A_504, %swap3A_505], %gather3A_496 {strides = array<i32>} : memref<2x16x128xf32, #tpu.memory_space<vmem>>, vector<16xf32>,
          %slice3A_507 = vector.extract_strided_slice %min3A_250 {offsets = [14], sizes = [1], strides = [1]} : vector<16xi32> to vector<1xi32>
          %squeeze3A_508 = vector.extract %slice3A_507[0] : i32 from vector<1xi32>
          %broadcast_in_dim3A_509 = vector.broadcast %squeeze3A_508 : i32 to vector<16xi32>
          %gather3A_510 = tpu.vector_load_idx %arg8[%broadcast_in_dim3A, %iota3A, %broadcast_in_dim3A_509] : memref<3x32x1024xf32, #tpu.memory_space<vmem>>[vector<16xi32>, vector<16xi32>, vector<16xi32>], vector<16xf32>,
          %add3A_511 = arith.constant 16 : i32
          %add3A_512 = vector.broadcast %add3A_511 : i32 to vector<16xi32>
          %add3A_513 = arith.addi %iota3A, %add3A_512 : vector<16xi32>
          %gather3A_514 = tpu.vector_load_idx %arg8[%broadcast_in_dim3A, %add3A_513, %broadcast_in_dim3A_509] : memref<3x32x1024xf32, #tpu.memory_space<vmem>>[vector<16xi32>, vector<16xi32>, vector<16xi32>], vector<16xf32>,
          %swap3A_515 = arith.constant 14 : i32
          %swap3A_516 = arith.index_cast %select_n3A_229 : i32 to index
          %swap3A_517 = arith.index_cast %swap3A_515 : i32 to index
          %swap3A_518 = arith.constant 0 : index
          %swap3A_519 = tpu.vector_load %arg13[%swap3A_516, %swap3A_517, %swap3A_518] {strides = array<i32>} : memref<2x16x128xf32, #tpu.memory_space<vmem>>, vector<16xf32>,
          tpu.vector_store %arg13[%swap3A_516, %swap3A_517, %swap3A_518], %gather3A_510 {strides = array<i32>} : memref<2x16x128xf32, #tpu.memory_space<vmem>>, vector<16xf32>,
          %swap3A_520 = arith.constant 14 : i32
          %swap3A_521 = arith.index_cast %select_n3A_229 : i32 to index
          %swap3A_522 = arith.index_cast %swap3A_520 : i32 to index
          %swap3A_523 = arith.constant 16 : index
          %swap3A_524 = tpu.vector_load %arg13[%swap3A_521, %swap3A_522, %swap3A_523] {strides = array<i32>} : memref<2x16x128xf32, #tpu.memory_space<vmem>>, vector<16xf32>,
          tpu.vector_store %arg13[%swap3A_521, %swap3A_522, %swap3A_523], %gather3A_514 {strides = array<i32>} : memref<2x16x128xf32, #tpu.memory_space<vmem>>, vector<16xf32>,
          %slice3A_525 = vector.extract_strided_slice %min3A_250 {offsets = [15], sizes = [1], strides = [1]} : vector<16xi32> to vector<1xi32>
          %squeeze3A_526 = vector.extract %slice3A_525[0] : i32 from vector<1xi32>
          %broadcast_in_dim3A_527 = vector.broadcast %squeeze3A_526 : i32 to vector<16xi32>
          %gather3A_528 = tpu.vector_load_idx %arg8[%broadcast_in_dim3A, %iota3A, %broadcast_in_dim3A_527] : memref<3x32x1024xf32, #tpu.memory_space<vmem>>[vector<16xi32>, vector<16xi32>, vector<16xi32>], vector<16xf32>,
          %add3A_529 = arith.constant 16 : i32
          %add3A_530 = vector.broadcast %add3A_529 : i32 to vector<16xi32>
          %add3A_531 = arith.addi %iota3A, %add3A_530 : vector<16xi32>
          %gather3A_532 = tpu.vector_load_idx %arg8[%broadcast_in_dim3A, %add3A_531, %broadcast_in_dim3A_527] : memref<3x32x1024xf32, #tpu.memory_space<vmem>>[vector<16xi32>, vector<16xi32>, vector<16xi32>], vector<16xf32>,
          %swap3A_533 = arith.constant 15 : i32
          %swap3A_534 = arith.index_cast %select_n3A_229 : i32 to index
          %swap3A_535 = arith.index_cast %swap3A_533 : i32 to index
          %swap3A_536 = arith.constant 0 : index
          %swap3A_537 = tpu.vector_load %arg13[%swap3A_534, %swap3A_535, %swap3A_536] {strides = array<i32>} : memref<2x16x128xf32, #tpu.memory_space<vmem>>, vector<16xf32>,
          tpu.vector_store %arg13[%swap3A_534, %swap3A_535, %swap3A_536], %gather3A_528 {strides = array<i32>} : memref<2x16x128xf32, #tpu.memory_space<vmem>>, vector<16xf32>,
          %swap3A_538 = arith.constant 15 : i32
          %swap3A_539 = arith.index_cast %select_n3A_229 : i32 to index
          %swap3A_540 = arith.index_cast %swap3A_538 : i32 to index
          %swap3A_541 = arith.constant 16 : index
          %swap3A_542 = tpu.vector_load %arg13[%swap3A_539, %swap3A_540, %swap3A_541] {strides = array<i32>} : memref<2x16x128xf32, #tpu.memory_space<vmem>>, vector<16xf32>,
          tpu.vector_store %arg13[%swap3A_539, %swap3A_540, %swap3A_541], %gather3A_532 {strides = array<i32>} : memref<2x16x128xf32, #tpu.memory_space<vmem>>, vector<16xf32>,
          %dma_start3A = arith.constant 0 : i32
          %dma_start3A_543 = arith.constant 0 : i32
          %dma_start3A_544 = tpu.memref_slice %arg13[%select_n3A_229, %dma_start3A, %dma_start3A_543] : memref<2x16x128xf32, #tpu.memory_space<vmem>> -> memref<1x16x128xf32, #tpu.memory_space<vmem>>
          %dma_start3A_545 = tpu.memref_squeeze %dma_start3A_544 : memref<1x16x128xf32, #tpu.memory_space<vmem>> -> memref<16x128xf32, #tpu.memory_space<vmem>>
          %dma_start3A_546 = arith.constant 0 : i32
          %dma_start3A_547 = arith.constant 0 : i32
          %dma_start3A_548 = tpu.memref_slice %arg6[%dma_start3A_546, %dma_start3A_547] : memref<32832x128xf32, #tpu.memory_space<hbm>> -> memref<32832x128xf32, #tpu.memory_space<hbm>>
          tpu.enqueue_indirect_dma source(%dma_start3A_545 : memref<16x128xf32, #tpu.memory_space<vmem>>) target(%dma_start3A_548 : memref<32832x128xf32, #tpu.memory_space<hbm>>) offsets(%select_n3A_254 : vector<16xi32>) semaphore(%arg15 : memref<!tpu.dma_semaphore, #tpu.memory_space<semaphore_mem>>)
        }
        %min3A_201 = arith.constant 2 : i32
        %min3A_202 = arith.minsi %select_n3A_190, %min3A_201 : i32
        %while3A_203 = arith.constant 0 : i32
        %while3A_204 = arith.constant 0 : i32
        %while3A_205 = arith.subi %min3A_202, %while3A_204 : i32
        %while3A_206 = arith.addi %while3A_204, %while3A_205 : i32
        %while3A_207 = arith.constant 1 : i32
        %while3A_208 = arith.divsi %while3A_205, %while3A_207 : i32
        %while3A_209 = arith.muli %while3A_208, %while3A_207 : i32
        %while3A_210 = arith.addi %while3A_204, %while3A_209 : i32
        %while3A_211 = arith.constant 1 : i32
        scf.for %while3A_213 = %while3A_204 to %while3A_210 step %while3A_211  : i32 {
          %dma_wait3A = arith.constant 0 : i32
          %dma_wait3A_214 = arith.constant 0 : i32
          %dma_wait3A_215 = arith.constant 0 : i32
          %dma_wait3A_216 = tpu.memref_slice %arg13[%dma_wait3A, %dma_wait3A_214, %dma_wait3A_215] : memref<2x16x128xf32, #tpu.memory_space<vmem>> -> memref<1x16x128xf32, #tpu.memory_space<vmem>>
          %dma_wait3A_217 = tpu.memref_squeeze %dma_wait3A_216 : memref<1x16x128xf32, #tpu.memory_space<vmem>> -> memref<16x128xf32, #tpu.memory_space<vmem>>
          %dma_wait3A_218 = arith.constant 0 : i32
          %dma_wait3A_219 = arith.constant 0 : i32
          %dma_wait3A_220 = tpu.memref_slice %arg6[%dma_wait3A_218, %dma_wait3A_219] : memref<32832x128xf32, #tpu.memory_space<hbm>> -> memref<16x128xf32, #tpu.memory_space<hbm>>
          %dma_wait3A_221 = arith.constant 0 : i32
          %dma_wait3A_222 = arith.constant 0 : i32
          %dma_wait3A_223 = tpu.memref_slice %arg13[%dma_wait3A, %dma_wait3A_221, %dma_wait3A_222] : memref<2x16x128xf32, #tpu.memory_space<vmem>> -> memref<1x16x128xf32, #tpu.memory_space<vmem>>
          %dma_wait3A_224 = tpu.memref_squeeze %dma_wait3A_223 : memref<1x16x128xf32, #tpu.memory_space<vmem>> -> memref<16x128xf32, #tpu.memory_space<vmem>>
          %dma_wait3A_225 = arith.constant 0 : i32
          %dma_wait3A_226 = arith.constant 0 : i32
          %dma_wait3A_227 = tpu.memref_slice %arg6[%dma_wait3A_225, %dma_wait3A_226] : memref<32832x128xf32, #tpu.memory_space<hbm>> -> memref<16x128xf32, #tpu.memory_space<hbm>>
          tpu.wait_dma2 semaphore(%arg15 : memref<!tpu.dma_semaphore, #tpu.memory_space<semaphore_mem>>) src(%dma_wait3A_227 : memref<16x128xf32, #tpu.memory_space<hbm>>) dst(%dma_wait3A_224 : memref<16x128xf32, #tpu.memory_space<vmem>>)
        }
        %while3A_212 = arith.constant 1 : i32
        scf.for %while3A_213 = %while3A_210 to %while3A_206 step %while3A_212  : i32 {
          %dma_wait3A = arith.constant 0 : i32
          %dma_wait3A_214 = arith.constant 0 : i32
          %dma_wait3A_215 = arith.constant 0 : i32
          %dma_wait3A_216 = tpu.memref_slice %arg13[%dma_wait3A, %dma_wait3A_214, %dma_wait3A_215] : memref<2x16x128xf32, #tpu.memory_space<vmem>> -> memref<1x16x128xf32, #tpu.memory_space<vmem>>
          %dma_wait3A_217 = tpu.memref_squeeze %dma_wait3A_216 : memref<1x16x128xf32, #tpu.memory_space<vmem>> -> memref<16x128xf32, #tpu.memory_space<vmem>>
          %dma_wait3A_218 = arith.constant 0 : i32
          %dma_wait3A_219 = arith.constant 0 : i32
          %dma_wait3A_220 = tpu.memref_slice %arg6[%dma_wait3A_218, %dma_wait3A_219] : memref<32832x128xf32, #tpu.memory_space<hbm>> -> memref<16x128xf32, #tpu.memory_space<hbm>>
          %dma_wait3A_221 = arith.constant 0 : i32
          %dma_wait3A_222 = arith.constant 0 : i32
          %dma_wait3A_223 = tpu.memref_slice %arg13[%dma_wait3A, %dma_wait3A_221, %dma_wait3A_222] : memref<2x16x128xf32, #tpu.memory_space<vmem>> -> memref<1x16x128xf32, #tpu.memory_space<vmem>>
          %dma_wait3A_224 = tpu.memref_squeeze %dma_wait3A_223 : memref<1x16x128xf32, #tpu.memory_space<vmem>> -> memref<16x128xf32, #tpu.memory_space<vmem>>
          %dma_wait3A_225 = arith.constant 0 : i32
          %dma_wait3A_226 = arith.constant 0 : i32
          %dma_wait3A_227 = tpu.memref_slice %arg6[%dma_wait3A_225, %dma_wait3A_226] : memref<32832x128xf32, #tpu.memory_space<hbm>> -> memref<16x128xf32, #tpu.memory_space<hbm>>
          tpu.wait_dma2 semaphore(%arg15 : memref<!tpu.dma_semaphore, #tpu.memory_space<semaphore_mem>>) src(%dma_wait3A_227 : memref<16x128xf32, #tpu.memory_space<hbm>>) dst(%dma_wait3A_224 : memref<16x128xf32, #tpu.memory_space<vmem>>)
        }
      }
      %scan3A_61 = arith.constant 31 : i32
      %add3A_62 = arith.constant 1 : i32
      %add3A_63 = arith.addi %while3A_14, %add3A_62 : i32
      scf.yield %add3A_63, %scan3A_29#0 : i32, i32
    }
    return
  }
}

</mosaic_0001>

<sc_bundles>
// kernel: _sc_emb.3.cloned.1.call-start
scs
__scs_entry_jumppad:
0x0: {  	(pc) =	sbr.rel $0x88, $3  }
0x1: {  	(tag) =	ssettag $0x0;
	lr =	simm.s32 $0x1  }
0x2: {  	[smem:$0x3F9D] =	sst lr;
	_ =	strace $0xD0000000  }
0x3: {  	_ = 	snop  }
0x4: {  	_ = 	snop  }
0x5: {  	_ = 	snop  }
0x6: {  	_ = 	snop  }
0x7: {  	_ = 	snop  }
__scs_overlays_trampoline_lowered:
0x8: {  	[smem:$0x3FAC] =	sst s0  }
0x9: {  	[smem:$0x3FAD] =	sst s1  }
0xa: {  	[smem:$0x3FAE] =	sst s2  }
0xb: {  	[smem:$0x3FAF] =	sst s3  }
0xc: {  	[smem:$0x3FB0] =	sst s4  }
0xd: {  	[smem:$0x3FB1] =	sst s5  }
0xe: {  	[smem:$0x3FB2] =	sst s6  }
0xf: {  	[smem:$0x3FB3] =	sst s7  }
0x10: {  	[smem:$0x3FB4] =	sst s8  }
0x11: {  	[smem:$0x3FB5] =	sst s9;
	s0 =	simm.s32 @!p0 $0x0  }
0x12: {  	s1 =	sld [smem:$0x3F9B];
	s0 =	simm.s32 @p0 $0x1  }
0x13: {  	[smem:$0x3FB6] =	sst s0;
	s0 =	simm.s32 @!p1 $0x0  }
0x14: {  	s2 =	sld [smem:$0x3F9A];
	s0 =	simm.s32 @p1 $0x1  }
0x15: {  	[smem:$0x3FB7] =	sst s0;
	s0 =	simm.s32 @!p2 $0x0  }
0x16: {  	s3 =	sld [smem:$0x3FDB];
	s0 =	simm.s32 @p2 $0x1  }
0x17: {  	s4 =	simm.s32 $0x1BF5;
	[smem:$0x3FB9] =	sst s0  }
0x18: {  	s0 =	sld [smem:$0x3F9C];
	_ =	swait.ge [sflag:s4], $0x0  }
0x19: {  	s7 =	sld [smem:$0x3F9D]  }
0x1a: {  	s8 =	sadd.s32 $0xFFFFE003, lr  }
0x1b: {  	s9 =	sadd.s32 $0xFFFFFEF7, lr;
	s5 =	simm.s32 $0xFFFFFFFF;
	p2 =	slt.u32 s8, $0xFFFFF086  }
0x1c: {  	p1 =	slt.u32 s9, $0xF7A;
	s5 =	simm.s32 @!p2 $0x0  }
0x1d: {  	s5 =	simm.s32 @p1 $0x1;
	p0 =	seq.s32 s7, s2  }
0x1e: {  	s7 =	smul.u32 @!p0 $0xF7A, s2;
	p2 =	seq.s32 @!p0 s5, $0x0  }
0x1f: {  	s9 =	smul.u32 $0xF7A, s1;
	s8 =	simm.s32 @!p0 $0x1BF5;
	p2 =	por !p2, p0  }
0x20: {  	[sflag:s8] =	ssyncset.s32 @!p0 $0xFFFFF086;
	s6 =	sadd.s32 @!p0 s3, s7;
	s7 =	simm.s32 @!p0 $0x108  }
0x21: {  	s3 =	sadd.s32 s3, s9;
	s6 =	sadd.s32 @!p0 $0x88, s6;
	s7 =	simm.s32 @p2 $0x1082  }
0x22: {  	[simem:s7], [sflag:s8] =	dma.local @!p0 [hbm:s6], $0xF7A  }
0x23: {  	s9 =	sor.u32 $0xD0000000, s2;
	s6 =	simm.s32 $0x108;
	_ =	swait.ge @!p0 [sflag:s8], $0x0  }
0x24: {  	s3 =	sadd.s32 $0x88, s3;
	s6 =	simm.s32 @!p1 $0x1082;
	[sflag:s4] =	ssyncset.s32 $0xFFFFF086  }
0x25: {  	[simem:s6], [sflag:s4] =	dma.local [hbm:s3], $0xF7A  }
0x26: {  	[smem:$0x3F9D] =	sst s1;
	(tag) =	ssettag s2;
	_ =	strace s9  }
0x27: {  	s1 =	sld [smem:$0x3FAD]  }
0x28: {  	s2 =	sld [smem:$0x3FAE]  }
0x29: {  	s4 =	sld [smem:$0x3FB0]  }
0x2a: {  	p0 =	seq.s32 s5, $0x0;
	s5 =	sld [smem:$0x3FB1]  }
0x2b: {  	s6 =	sld [smem:$0x3FB2]  }
0x2c: {  	s7 =	sld [smem:$0x3FB3]  }
0x2d: {  	s3 =	simm.s32 $0x108;
	s8 =	sld [smem:$0x3FB4]  }
0x2e: {  	s3 =	simm.s32 @!p0 $0x1082;
	s9 =	sld [smem:$0x3FB5]  }
0x2f: {  	lr =	sadd.s32 s0, s3;
	s0 =	sld [smem:$0x3FAC]  }
0x30: {  	s3 =	sld [smem:$0x3FAF]  }
0x31: {  	[smem:$0x3FB8] =	sst s10  }
0x32: {  	s10 =	sld [smem:$0x3FB6];
	_ =	sdelay $0x3  }
0x33: {  	p0 =	seq.s32 s10, $0x1;
	s10 =	sld [smem:$0x3FB8];
	_ =	sdelay $0x3  }
0x34: {  	[smem:$0x3FB8] =	sst s10  }
0x35: {  	s10 =	sld [smem:$0x3FB7];
	_ =	sdelay $0x3  }
0x36: {  	p1 =	seq.s32 s10, $0x1;
	s10 =	sld [smem:$0x3FB8];
	_ =	sdelay $0x3  }
0x37: {  	[smem:$0x3FB8] =	sst s10  }
0x38: {  	s10 =	sld [smem:$0x3FB9]  }
0x39: {  	_ = 	snop;
	(pc) =	sbr.ind lr, $3  }
0x3a: {  	_ = 	snop  }
0x3b: {  	_ = 	snop  }
0x3c: {  	p2 =	seq.s32 s10, $0x1;
	s10 =	sld [smem:$0x3FB8]  }
0x3d: {  	_ =	shalt  }
0x3e: {  	_ =	shalt  }
0x3f: {  	_ =	shalt  }
0x40: {  	_ =	shalt  }
0x41: {  	_ =	shalt  }
0x42: {  	_ =	shalt  }
0x43: {  	_ =	shalt  }
0x44: {  	_ =	shalt  }
0x45: {  	_ =	shalt  }
0x46: {  	_ =	shalt  }
0x47: {  	_ =	shalt  }
0x48: {  	_ =	shalt  }
0x49: {  	_ =	shalt  }
0x4a: {  	_ =	shalt  }
0x4b: {  	_ =	shalt  }
0x4c: {  	_ =	shalt  }
0x4d: {  	_ =	shalt  }
0x4e: {  	_ =	shalt  }
0x4f: {  	_ =	shalt  }
0x50: {  	_ =	shalt  }
0x51: {  	_ =	shalt  }
0x52: {  	_ =	shalt  }
0x53: {  	_ =	shalt  }
0x54: {  	_ =	shalt  }
0x55: {  	_ =	shalt  }
0x56: {  	_ =	shalt  }
0x57: {  	_ =	shalt  }
0x58: {  	_ =	shalt  }
0x59: {  	_ =	shalt  }
0x5a: {  	_ =	shalt  }
0x5b: {  	_ =	shalt  }
0x5c: {  	_ =	shalt  }
0x5d: {  	_ =	shalt  }
0x5e: {  	_ =	shalt  }
0x5f: {  	_ =	shalt  }
0x60: {  	_ =	shalt  }
0x61: {  	_ =	shalt  }
0x62: {  	_ =	shalt  }
0x63: {  	_ =	shalt  }
0x64: {  	_ =	shalt  }
0x65: {  	_ =	shalt  }
0x66: {  	_ =	shalt  }
0x67: {  	_ =	shalt  }
0x68: {  	_ =	shalt  }
0x69: {  	_ =	shalt  }
0x6a: {  	_ =	shalt  }
0x6b: {  	_ =	shalt  }
0x6c: {  	_ =	shalt  }
0x6d: {  	_ =	shalt  }
0x6e: {  	_ =	shalt  }
0x6f: {  	_ =	shalt  }
0x70: {  	_ =	shalt  }
0x71: {  	_ =	shalt  }
0x72: {  	_ =	shalt  }
0x73: {  	_ =	shalt  }
0x74: {  	_ =	shalt  }
0x75: {  	_ =	shalt  }
0x76: {  	_ =	shalt  }
0x77: {  	_ =	shalt  }
0x78: {  	_ =	shalt  }
0x79: {  	_ =	shalt  }
0x7a: {  	_ =	shalt  }
0x7b: {  	_ =	shalt  }
0x7c: {  	_ =	shalt  }
0x7d: {  	_ =	shalt  }
0x7e: {  	_ =	shalt  }
0x7f: {  	_ =	shalt  }
0x80: {  	_ =	shalt  }
0x81: {  	_ =	shalt  }
0x82: {  	_ =	shalt  }
0x83: {  	_ =	shalt  }
0x84: {  	_ =	shalt  }
0x85: {  	_ =	shalt  }
0x86: {  	_ =	shalt  }
0x87: {  	_ =	shalt  }
.Lfunc_end0:
.L_simem_size_0:
called_computation_lowered:
.L_overlay_start_0:
0x88: {  	s2 =	sld [smem:$0x3FD9]  }
0x89: {  	s3 =	sld [smem:$0x3FFE];
	_ =	sdelay $0x1  }
0x8a: {  	s1 =	srdreg.scid  }
0x8b: {  	s0 =	sand.u32 $0x1, s1  }
0x8c: {  	s18 =	sshll.u32 s0, $0xA;
	s2 =	sadd.s32 s3, s2  }
0x8d: {  	s2 =	sadd.s32 s2, s18  }
0x8e: {  	[smem:$0x3FC4] =	sst s2  }
0x8f: {  	_ = 	snop  }
0x90: {  	s2 =	sld [smem:$0x3FC9]  }
0x91: {  	s19 =	sld [smem:$0x3FC8]  }
0x92: {  	s4 =	sld [smem:$0x3FC7]  }
0x93: {  	s5 =	sld [smem:$0x3FC6]  }
0x94: {  	s6 =	sld [smem:$0x3FD0];
	(tm) =	ssettm $0x1  }
0x95: {  	s7 =	sld [smem:$0x3FFB];
	_ =	sdelay $0x3  }
0x96: {  	_ =	strace s7  }
0x97: {  	s7 =	sld [smem:$0x3FFC];
	_ =	sdelay $0x3  }
0x98: {  	_ =	strace s7  }
0x99: {  	s7 =	sld [smem:$0x3FFD];
	_ =	sdelay $0x3  }
0x9a: {  	_ =	strace s7  }
0x9b: {  	_ =	strace $0x8FFFFFFF  }
0x9c: {  	s20 =	sld [smem:$0x3FDB];
	_ =	sdelay $0x1  }
0x9d: {  	s8 =	simm.s32 $_scs_section_size  }
0x9e: {  	s9 =	simm.s32 $_size__tile_overlayer_lowered;
	s10 =	simm.s32 $_tile_overlayer_lowered  }
0x9f: {  	s23 =	simm.s32 $0x1BFF;
	s22 =	sshll.u32 s10, $0x1;
	s7 =	sadd.s32 s8, s20  }
0xa0: {  	s11 =	simm.s32 $0x0;
	s21 =	sshll.u32 s9, $0x1;
	s9 =	sadd.s32 s22, s7  }
0xa1: {  	[timem:s11], [sflag:s23] =	dma.local [hbm:s9], s21  }
0xa2: {  	_ =	swait.ge [sflag:s23], s21  }
0xa3: {  	s8 =	ssub.s32 $0x0, s21;
	[sflag:s23] =	ssyncset.done $0x0  }
0xa4: {  	[sflag:s23] =	ssyncadd.s32 s8;
	_ =	sdelay $0x1  }
0xa5: {  	s24 =	simm.s32 $0x1B8B  }
0xa6: {  	_ =	swait.ge [sflag:s24], $0x1  }
0xa7: {  	[sflag:s24] =	ssyncset.done $0x0  }
0xa8: {  	s25 =	simm.s32 $0x1B8E;
	[sflag:s24] =	ssyncadd.s32 $0xFFFFFFFF  }
0xa9: {  	s26 =	simm.s32 $execute0_lowered;
	[smem:$0x3FD2] =	sst s25  }
0xaa: {  	s8 =	sshll.u32 s26, $0x1;
	_ =	strace $0x80000046;
	[dreg:$0x1] =	wrdreg $0xFFFFFFFF  }
0xab: {  	s28 =	simm.s32 $_size_execute0_lowered;
	s7 =	sadd.s32 s7, s8;
	[dreg:$0x0] =	wrdreg $0x0  }
0xac: {  	s8 =	sshll.u32 s28, $0x1;
	[dreg:$0x2] =	wrdreg s7  }
0xad: {  	[dreg:$0x3] =	wrdreg s8  }
0xae: {  	[dreg:$0x4] =	wrdreg $0xC0  }
0xaf: {  	_ =	task [dreg:s11], $0x5FFFF  }
0xb0: {  	[dreg:$0x1] =	wrdreg $0xFFFFFFFF  }
0xb1: {  	[dreg:$0x0] =	wrdreg $0x60  }
0xb2: {  	[dreg:$0x2] =	wrdreg s2  }
0xb3: {  	[dreg:$0x3] =	wrdreg s19  }
0xb4: {  	[dreg:$0x4] =	wrdreg s4  }
0xb5: {  	[dreg:$0x5] =	wrdreg s5  }
0xb6: {  	[dreg:$0x6] =	wrdreg s6  }
0xb7: {  	[dreg:$0x7] =	wrdreg $0x9  }
0xb8: {  	_ =	task.clear_ibuf [dreg:s11], $0x8FFFF;
	_ =	strace $0x90000046  }
0xb9: {  	s29 =	simm.s32 $0x9;
	_ =	strace $0x80000048  }
0xba: {  	_ =	swait.ge [sflag:s29], $0x1  }
0xbb: {  	[sflag:s29] =	ssyncadd.s32 $0xFFFFFFFF  }
0xbc: {  	_ =	strace $0x90000048  }
0xbd: {  	_ =	sfence  }
0xbe: {  	s30 =	sld [smem:$0x0];
	_ =	sdelay $0x2  }
0xbf: {  	s31 =	sshll.u32 s1, $0xD;
	s1 =	sshrl.u32 s1, $0x2  }
0xc0: {  	s3 =	sand.u32 $0x4000, s31;
	s1 =	sadd.s32 s1, s30  }
0xc1: {  	s0 =	sor.u32 s3, s0;
	s1 =	sshll.u32 s1, $0x11  }
0xc2: {  	s0 =	sor.u32 s1, s0  }
0xc3: {  	s0 =	sadd.s32 $0x8F2B, s0  }
0xc4: {  	[sflag:s0] =	ssyncadd.remote.s32 $0x1  }
0xc5: {  	_ =	sfence.sel $0xFFFF  }
0xc6: {  	[dreg:$0x0] =	wrdreg $0xFFFFFFFF;
	(pc) =	sbr.abs _section_cstart, $3  }
0xc7: {  	[dreg:$0x1] =	wrdreg $0xFFFFFFFF  }
0xc8: {  	_ =	task.clear_ibuf [dreg:s11], $0x2FFFF;
	_ =	strace $0x9FFFFFFF  }
0xc9: {  	(tm) =	ssettm $0x7FFFFFFF  }
tec
execute0_lowered:
.L_overlay_start_1:
0x0: {  	(tag) =	ssettag $0x1  }
0x1: {  	v2 =	vimm.s32 $0x0;
	v3 =	vimm.s32 $0x2380  }
0x2: {  	s0 =	srdreg.scid;
	s1 =	stileid.u32;
	vm0 =	vcmask $0x300;
	vm1 =	vcmask $0x704;
	v4 =	vimm.s32 $0x6380  }
0x3: {  	vm2 =	vcmask $0xB08;
	s0 =	sand.u32 $0x1, s0;
	s1 =	sshll.u32 s1, $0x1;
	v3 =	vsel vm0, $0x0, v3;
	v4 =	vsel vm0, $0x4000, v4  }
0x4: {  	vm0 =	vcmask $0xF0C;
	s1 =	sor.u32 s0, s1;
	v3 =	vsel vm1, $0x80, v3;
	v4 =	vsel vm1, $0x4080, v4  }
0x5: {  	vm1 =	vcmask $0x1310;
	s2 =	smul.u32 $0x1E, s1;
	v3 =	vsel vm2, $0x100, v3;
	v4 =	vsel vm2, $0x4100, v4  }
0x6: {  	s3 =	sadd.s32 $0x1, s1;
	s1 =	smin.u32 s1, $0x11;
	vm2 =	vcmask $0x1714;
	v3 =	vsel vm0, $0x180, v3;
	v4 =	vsel vm0, $0x4180, v4  }
0x7: {  	s3 =	smin.u32 s3, $0x11;
	vm0 =	vcmask $0x1B18;
	s1 =	sadd.s32 s1, s2;
	v3 =	vsel vm1, $0x200, v3;
	v4 =	vsel vm1, $0x4200, v4  }
0x8: {  	s3 =	sadd.s32 s3, s2;
	vm1 =	vcmask $0x1F1C;
	v0 =	vmov s1;
	v3 =	vsel vm2, $0x280, v3  }
0x9: {  	s4 =	rddreg [dreg:$0x1];
	s2 =	sadd.s32 $0x1E, s3;
	v4 =	vsel vm2, $0x4280, v4;
	vm2 =	vcmask $0x2320;
	v3 =	vsel vm0, $0x300, v3  }
0xa: {  	s8 =	rddreg [dreg:$0x4];
	s9 =	simm.s32 $0x0;
	v1 =	vmov s2;
	v4 =	vsel vm0, $0x4300, v4;
	v3 =	vsel vm1, $0x380, v3  }
0xb: {  	s17 =	simm.s32 $0x3;
	s18 =	simm.s32 $0x2000;
	s19 =	simm.s32 $0x7A1400;
	vm0 =	vcmask $0x2724;
	v4 =	vsel vm1, $0x4380, v4;
	v3 =	vsel vm2, $0x2000, v3  }
0xc: {  	s20 =	simm.s32 $0x4000;
	s22 =	simm.s32 $0x2;
	s0 =	ssub.s32 $0x2, s0;
	vm1 =	vcmask $0x2B28;
	v4 =	vsel vm2, $0x6000, v4;
	v3 =	vsel vm0, $0x2080, v3  }
0xd: {  	[smem:$0x7FF] =	sst s9;
	s14 =	sadd.s32 $0x80, s4;
	s7 =	sshrl.u32 s0, $0x1;
	vm2 =	vcmask $0x2F2C;
	v4 =	vsel vm0, $0x6080, v4;
	v3 =	vsel vm1, $0x2100, v3  }
.Ltmp0:
0xe: {  	s15 =	sadd.s32 $0x100, s4;
	s0 =	ssub.s32 s0, s7;
	vm0 =	vcmask $0x3330;
	v4 =	vsel vm1, $0x6100, v4;
	v3 =	vsel vm2, $0x2180, v3;
	(pc) =	sbr.rel .LBB2_1-.Ltmp0, $4  }
0xf: {  	s16 =	sadd.s32 $0x180, s4;
	s0 =	smax.u32 s0, $0x1;
	s5 =	sshll.u32 s1, $0xA;
	vm1 =	vcmask $0x3734;
	v4 =	vsel vm2, $0x6180, v4;
	v3 =	vsel vm0, $0x2200, v3  }
0x10: {  	s3 =	rddreg [dreg:$0x0];
	_ =	strace $0x80000047;
	s6 =	sadd.s32 $0x400, s5;
	vm2 =	vcmask $0x3B38;
	v6 =	vsel vm0, $0x6200, v4;
	v5 =	vsel vm1, $0x2280, v3  }
0x11: {  	[dreg:$0x6] =	wrdreg s0;
	s10 =	sadd.s32 s3, s5;
	s6 =	sand.u32 $0x1FFFFC00, s6;
	v3 =	vlaneseq.u32;
	v4 =	vsel vm2, $0x2300, v5;
	v5 =	vsel vm1, $0x6280, v6  }
0x12: {  	s12 =	sadd.s32 $0xF4000, s3;
	s5 =	simm.s32 $0x0;
	s11 =	sadd.s32 s3, s6;
	vm0 =	vmmov $0xffff;
	v6 =	vor.u32 $0x4000, v3;
	v5 =	vsel vm2, $0x6300, v5  }
.LBB2_22:
0x13: {  	s5 =	rddreg [dreg:$0x7]  }
0x14: {  	s0 =	rddreg [dreg:$0x6];
	s5 =	sadd.s32 $0x1, s5  }
0x15: {  	p0 =	sne.s32 s5, s0  }
.Ltmp1:
0x16: {  	_ = 	snop;
	(pc) =	sbr.rel @!p0 .LBB2_23-.Ltmp1, $1  }
0x17: {  	_ =	sdelay $0x3  }
.LBB2_1:
.Ltmp2:
0x18: {  	(pc) =	sbr.rel .LBB2_2-.Ltmp2, $2  }
0x19: {  	_ =	sdelay $0x2  }
0x1a: {  	[dreg:$0x7] =	wrdreg s5;
	s5 =	simm.s32 $0x0;
	s24 =	simm.s32 $0x0  }
.LBB2_21:
0x1b: {  	s24 =	sadd.s32 $0x1, s24  }
0x1c: {  	s5 =	smul.u32 $0xB00, s24;
	_ =	sdelay $0x1  }
0x1d: {  	p0 =	slt.s32 s5, s25  }
.Ltmp3:
0x1e: {  	_ = 	snop;
	(pc) =	sbr.rel @!p0 .LBB2_22-.Ltmp3, $1  }
0x1f: {  	_ =	sdelay $0x3  }
.LBB2_2:
0x20: {  	s0 =	simm.s32 $0x0;
	s6 =	rddreg [dreg:$0x2]  }
0x21: {  	[tilespmem:s0], [sflag:$0x3] =	stream.linear.gather [hbm4b:s6+s0], $0x4000, $0x38;
	[tilespmem:$0x1FE00] =	vst v63  }
0x22: {  	_ =	swait.ge [sflag:s17], $0x4000  }
0x23: {  	[sflag:s17] =	ssyncset.done $0x0  }
0x24: {  	[sflag:s17] =	ssyncadd.s32 $0xFFFFC000  }
0x25: {  	v9 =	vld [tilespmem:s0+$0x0];
	_ =	sdelay $0x4  }
0x26: {  	v7 =	vshrl.u32 v9, $0xA  }
0x27: {  	vm1 =	vge.u32 v7, v0;
	vm2 =	vlt.u32 v7, v1  }
0x28: {  	vm1 =	vmand vm1, vm2  }
0x29: {  	v7 =	vsel vm1, $0x1, v2  }
0x2a: {  	(xrf0) =	vadd.scan.msk.s32 $0xffff, v7;
	_ =	sdelay $0x4  }
0x2b: {  	s31 =	sadd.s32 $0xB00, s5  }
0x2c: {  	v8 =	vmov s31;
	v10, _, _ =	vpop (xrf0)  }
0x2d: {  	v7 =	vmov s5;
	v11 =	vadd.s32 s0, v10;
	(v2sf) =	vpush v10, $0xF  }
0x2e: {  	vm2 =	vgt.s32 v11, v7;
	vm3 =	vle.s32 v11, v8  }
0x2f: {  	vm2 =	vmand vm2, vm3  }
0x30: {  	vm1 =	vmand vm1, vm2  }
0x31: {  	v11 =	vmpcnt.ones.xlane vm1;
	[tilespmem:s0+$0x1C000] =	vst.msk vm1, v9;
	v9 =	vor.u32 s0, v3  }
0x32: {  	s7 =	simm.s32 $0x10;
	[tilespmem:s0+$0x1CB80] =	vst.msk vm1, v9  }
0x33: {  	s13 =	simm.s32 $0x0;
	s23 =	simm.s32 $0x10;
	s5 =	simm.s32 $0x20;
	v9 =	vld [tilespmem:s7+$0x0];
	(v2sf) =	vpush v11, $0x0  }
.LBB2_3:
0x34: {  	p0 =	sne.s32 s5, $0x3FF0;
	_ =	sdelay $0x3  }
0x35: {  	v10 =	vshrl.u32 v9, $0xA  }
0x36: {  	vm1 =	vge.u32 v10, v0;
	vm2 =	vlt.u32 v10, v1  }
0x37: {  	vm1 =	vmand vm1, vm2  }
0x38: {  	v10 =	vsel vm1, $0x1, v2  }
0x39: {  	(xrf0) =	vadd.scan.msk.s32 $0xffff, v10;
	s6 =	spop (v2sf)  }
0x3a: {  	s0 =	sadd.s32 s0, s6;
	_ =	sdelay $0x4  }
0x3b: {  	v10, _, _ =	vpop (xrf0);
	s6 =	spop (v2sf)  }
0x3c: {  	v11 =	vadd.s32 s0, v10;
	(v2sf) =	vpush v10, $0xF;
	s13 =	sadd.s32 s13, s6  }
0x3d: {  	vm2 =	vgt.s32 v11, v7;
	vm3 =	vle.s32 v11, v8  }
.Ltmp4:
0x3e: {  	vm2 =	vmand vm2, vm3;
	(pc) =	sbr.rel @p0 .LBB2_3-.Ltmp4, $4  }
0x3f: {  	vm1 =	vmand vm1, vm2  }
0x40: {  	v10 =	vmpcnt.ones.xlane vm1;
	[tilespmem:s13+$0x1C000] =	vst.msk vm1, v9;
	v9 =	vor.u32 s7, v3;
	s7 =	smov.u32 s5  }
0x41: {  	s23 =	sadd.s32 $0x10, s23;
	[tilespmem:s13+$0x1CB80] =	vst.msk vm1, v9  }
0x42: {  	s5 =	sadd.s32 $0x10, s5;
	v9 =	vld [tilespmem:s23+$0x0];
	(v2sf) =	vpush v10, $0x0  }
0x43: {  	_ =	sdelay $0x3  }
0x44: {  	v10 =	vshrl.u32 v9, $0xA  }
0x45: {  	vm1 =	vge.u32 v10, v0;
	vm2 =	vlt.u32 v10, v1  }
0x46: {  	vm1 =	vmand vm1, vm2  }
0x47: {  	v10 =	vsel vm1, $0x1, v2  }
0x48: {  	(xrf0) =	vadd.scan.msk.s32 $0xffff, v10;
	_ =	sdelay $0x4  }
0x49: {  	s5 =	spop (v2sf)  }
0x4a: {  	s0 =	sadd.s32 s0, s5;
	v10, _, _ =	vpop (xrf0)  }
0x4b: {  	v11 =	vadd.s32 s0, v10  }
0x4c: {  	vm2 =	vgt.s32 v11, v7;
	vm3 =	vle.s32 v11, v8  }
0x4d: {  	vm2 =	vmand vm2, vm3  }
0x4e: {  	vm1 =	vmand vm1, vm2  }
0x4f: {  	v11 =	vmpcnt.ones.xlane vm1  }
0x50: {  	(v2sf) =	vpush v10, $0xF  }
0x51: {  	(v2sf) =	vpush v11, $0x0;
	_ =	sdelay $0x8  }
0x52: {  	s28 =	spop (v2sf)  }
0x53: {  	s5 =	sadd.s32 s13, s28  }
0x54: {  	[tilespmem:s5+$0x1C000] =	vst.msk vm1, v9;
	v9 =	vor.u32 s7, v3  }
0x55: {  	s30 =	simm.s32 $0x0;
	s21 =	rddreg [dreg:$0x3];
	[tilespmem:s5+$0x1CB80] =	vst.msk vm1, v9  }
0x56: {  	[tilespmem:s30], [sflag:$0x3] =	stream.linear.gather [hbm4b:s21+s30], $0x4000, $0x38;
	[tilespmem:$0x1FE00] =	vst v63  }
0x57: {  	s6 =	spop (v2sf)  }
0x58: {  	s29 =	spop (v2sf)  }
0x59: {  	_ =	swait.ge [sflag:s17], $0x4000  }
0x5a: {  	[sflag:s17] =	ssyncset.done $0x0  }
0x5b: {  	[sflag:s17] =	ssyncadd.s32 $0xFFFFC000  }
0x5c: {  	v9 =	vld [tilespmem:s30+$0x0];
	_ =	sdelay $0x4  }
0x5d: {  	v10 =	vshrl.u32 v9, $0xA  }
0x5e: {  	vm1 =	vge.u32 v10, v0;
	vm2 =	vlt.u32 v10, v1  }
0x5f: {  	vm1 =	vmand vm1, vm2  }
0x60: {  	v10 =	vsel vm1, $0x1, v2  }
0x61: {  	(xrf0) =	vadd.scan.msk.s32 $0xffff, v10;
	_ =	sdelay $0x5  }
0x62: {  	s7 =	sadd.s32 s0, s6;
	v10, _, _ =	vpop (xrf0)  }
0x63: {  	v11 =	vadd.s32 s7, v10;
	(v2sf) =	vpush v10, $0xF  }
0x64: {  	vm2 =	vgt.s32 v11, v7;
	vm3 =	vle.s32 v11, v8  }
0x65: {  	vm2 =	vmand vm2, vm3  }
0x66: {  	s31 =	simm.s32 $0x4020;
	s0 =	sadd.s32 s5, s29;
	vm1 =	vmand vm1, vm2  }
0x67: {  	v11 =	vmpcnt.ones.xlane vm1;
	[tilespmem:s0+$0x1C000] =	vst.msk vm1, v9;
	v9 =	vor.u32 s31, v3  }
0x68: {  	s23 =	simm.s32 $0x10;
	[tilespmem:s0+$0x1CB80] =	vst.msk vm1, v9  }
0x69: {  	s13 =	simm.s32 $0x4030;
	s5 =	simm.s32 $0x4040;
	v9 =	vld [tilespmem:s23+$0x0];
	(v2sf) =	vpush v11, $0x0  }
.LBB2_5:
0x6a: {  	p0 =	sne.s32 s5, $0x8010;
	_ =	sdelay $0x3  }
0x6b: {  	v10 =	vshrl.u32 v9, $0xA  }
0x6c: {  	vm1 =	vge.u32 v10, v0;
	vm2 =	vlt.u32 v10, v1  }
0x6d: {  	vm1 =	vmand vm1, vm2  }
0x6e: {  	v10 =	vsel vm1, $0x1, v2  }
0x6f: {  	(xrf0) =	vadd.scan.msk.s32 $0xffff, v10;
	s6 =	spop (v2sf)  }
0x70: {  	s7 =	sadd.s32 s7, s6;
	_ =	sdelay $0x4  }
0x71: {  	v10, _, _ =	vpop (xrf0);
	s6 =	spop (v2sf)  }
0x72: {  	v11 =	vadd.s32 s7, v10;
	(v2sf) =	vpush v10, $0xF;
	s0 =	sadd.s32 s0, s6  }
0x73: {  	vm2 =	vgt.s32 v11, v7;
	vm3 =	vle.s32 v11, v8  }
.Ltmp5:
0x74: {  	vm2 =	vmand vm2, vm3;
	(pc) =	sbr.rel @p0 .LBB2_5-.Ltmp5, $4  }
0x75: {  	vm1 =	vmand vm1, vm2  }
0x76: {  	v10 =	vmpcnt.ones.xlane vm1;
	[tilespmem:s0+$0x1C000] =	vst.msk vm1, v9;
	v9 =	vor.u32 s13, v3;
	s13 =	smov.u32 s5  }
0x77: {  	s23 =	sadd.s32 $0x10, s23;
	[tilespmem:s0+$0x1CB80] =	vst.msk vm1, v9  }
0x78: {  	s5 =	sadd.s32 $0x10, s5;
	v9 =	vld [tilespmem:s23+$0x0];
	(v2sf) =	vpush v10, $0x0  }
0x79: {  	_ =	sdelay $0x3  }
0x7a: {  	v10 =	vshrl.u32 v9, $0xA  }
0x7b: {  	vm1 =	vge.u32 v10, v0;
	vm2 =	vlt.u32 v10, v1  }
0x7c: {  	vm1 =	vmand vm1, vm2  }
0x7d: {  	v63 =	vsel vm1, $0x1, v2  }
0x7e: {  	(xrf0) =	vadd.scan.msk.s32 $0xffff, v63;
	_ =	sdelay $0x4  }
0x7f: {  	s5 =	spop (v2sf)  }
0x80: {  	s5 =	sadd.s32 s7, s5;
	v10, _, _ =	vpop (xrf0)  }
0x81: {  	v11 =	vadd.s32 s5, v10  }
0x82: {  	vm2 =	vgt.s32 v11, v7;
	vm3 =	vle.s32 v11, v8  }
0x83: {  	vm2 =	vmand vm2, vm3  }
0x84: {  	vm1 =	vmand vm1, vm2  }
0x85: {  	v7 =	vmpcnt.ones.xlane vm1  }
0x86: {  	(v2sf) =	vpush v10, $0xF  }
0x87: {  	(v2sf) =	vpush v7, $0x0;
	_ =	sdelay $0x6  }
0x88: {  	s6 =	spop (v2sf)  }
0x89: {  	s0 =	sadd.s32 s0, s6  }
0x8a: {  	[tilespmem:s0+$0x1C000] =	vst.msk vm1, v9;
	v7 =	vor.u32 s13, v3  }
0x8b: {  	[tilespmem:s0+$0x1CB80] =	vst.msk vm1, v7  }
0x8c: {  	[tilespmem:s20], [sflag:$0x1] =	stream.strided.gather [hbm4b:s10+s18], $0x8000, s19, s18, $0x38;
	[tilespmem:$0x1FE00] =	vst v63  }
0x8d: {  	s26 =	simm.s32 $0xC000  }
0x8e: {  	[tilespmem:s26], [sflag:$0x1] =	stream.strided.gather [hbm4b:s11+s18], $0x8000, s19, s18, $0x38;
	[tilespmem:$0x1FE00] =	vst v63  }
0x8f: {  	s23 =	spop (v2sf)  }
0x90: {  	s25 =	spop (v2sf)  }
0x91: {  	s0 =	sadd.s32 s0, s25  }
0x92: {  	s29 =	sadd.s32 $0xF, s0  }
0x93: {  	s30 =	sand.u32 $0xF, s29  }
0x94: {  	s31 =	sshra.s32 s29, $0x1F;
	p1 =	slt.s32 s29, $0x1;
	p0 =	sne.s32 s30, $0x0  }
.Ltmp6:
0x95: {  	s13 =	sshrl.u32 s31, $0x1C;
	p0 =	por !p1, !p0;
	(pc) =	sbr.rel .LBB2_7-.Ltmp6, $4  }
0x96: {  	s7 =	sadd.s32 s13, s29;
	s13 =	simm.s32 $0x1;
	p0 =	por !p0, !p0  }
0x97: {  	s7 =	sshra.s32 s7, $0x4;
	s13 =	simm.s32 @!p0 $0x0  }
0x98: {  	s26 =	ssub.s32 s7, s13  }
0x99: {  	s28 =	simm.s32 $0x0;
	s25 =	sadd.s32 s5, s23;
	v7 =	vmov s0;
	p0 =	slt.s32 s26, $0x1  }
.LBB2_19:
0x9a: {  	[sflag:s22] =	ssyncadd.s32 $0xFFFFF800  }
.LBB2_20:
0x9b: {  	s28 =	sadd.s32 $0x1, s28  }
0x9c: {  	p1 =	sne.s32 s28, $0x1F  }
.Ltmp7:
0x9d: {  	_ = 	snop;
	(pc) =	sbr.rel @!p1 .LBB2_21-.Ltmp7, $1  }
0x9e: {  	_ =	sdelay $0x3  }
.LBB2_7:
0x9f: {  	s0 =	sadd.s32 s1, s28  }
0xa0: {  	s5 =	smul.u32 $0xAB, s28;
	p1 =	sge.u32 s0, s2  }
0xa1: {  	p2 =	seq.s32 @!p1 s0, $0x3D0  }
0xa2: {  	s5 =	sshrl.u32 s5, $0x9;
	p2 =	por p2, p1  }
0xa3: {  	s5 =	sand.u32 $0x7F, s5;
	s6 =	simm.s32 @!p2 $0x1  }
0xa4: {  	p3 =	sne.s32 @!p1 s0, $0x3D0;
	s5 =	smul.u32 $0x3, s5;
	_ =	swait.ge @!p2 [sflag:s6], $0x8000  }
0xa5: {  	p1 =	por p3, p1;
	[sflag:s6] =	ssyncset.done @!p2 $0x0  }
0xa6: {  	s5 =	ssub.s32 s28, s5;
	[sflag:s6] =	ssyncadd.s32 @!p2 $0xFFFF8000;
	s6 =	simm.s32 @!p1 $0x1  }
0xa7: {  	s7 =	sand.u32 $0xFF, s5;
	_ =	swait.ge @!p1 [sflag:s6], $0x4000  }
0xa8: {  	s5 =	sshll.u32 @!p1 s7, $0xF;
	[sflag:s6] =	ssyncset.done @!p1 $0x0  }
0xa9: {  	s13 =	simm.s32 @!p1 $0x0;
	[sflag:s6] =	ssyncadd.s32 @!p1 $0xFFFFC000;
	s6 =	sor.u32 @!p1 $0x5000, s5  }
0xaa: {  	[tilespmem:s6], [sflag:$0x3] =	stream.linear.gather @!p1 [hbm4b:s4+s13], $0x400, $0x38;
	[tilespmem:$0x1FE00] =	vst v63  }
0xab: {  	s6 =	sor.u32 @!p1 $0x7000, s5  }
0xac: {  	[tilespmem:s6], [sflag:$0x3] =	stream.linear.gather @!p1 [hbm4b:s14+s13], $0x400, $0x38;
	[tilespmem:$0x1FE00] =	vst v63  }
0xad: {  	s30 =	sadd.s32 $0x2, s28;
	s6 =	sadd.s32 @!p1 $0x9000, s5  }
0xae: {  	[tilespmem:s6], [sflag:$0x3] =	stream.linear.gather @!p1 [hbm4b:s15+s13], $0x400, $0x38;
	[tilespmem:$0x1FE00] =	vst v63  }
0xaf: {  	s23 =	smulhi.u32 $0xAAAAAAAB, s30;
	s5 =	sadd.s32 @!p1 $0xB000, s5  }
0xb0: {  	[tilespmem:s5], [sflag:$0x3] =	stream.linear.gather @!p1 [hbm4b:s16+s13], $0x400, $0x38;
	[tilespmem:$0x1FE00] =	vst v63  }
0xb1: {  	s31 =	sshrl.u32 s23, $0x1;
	s23 =	simm.s32 @!p1 $0x3;
	s5 =	sadd.s32 $0x2, s0  }
0xb2: {  	s13 =	smul.u32 $0x3, s31;
	p2 =	sge.u32 s5, s2;
	_ =	swait.ge @!p1 [sflag:s23], $0x1000  }
0xb3: {  	p3 =	seq.s32 @!p2 s5, $0x3D0;
	[sflag:s23] =	ssyncset.done @!p1 $0x0  }
0xb4: {  	s6 =	ssub.s32 s30, s13;
	p3 =	por p3, p2;
	[sflag:s23] =	ssyncadd.s32 @!p1 $0xFFFFF000  }
0xb5: {  	p1 =	sne.s32 @!p2 s5, $0x3D0;
	s13 =	sshll.u32 @!p3 s6, $0xF;
	s29 =	sshll.u32 @!p3 s5, $0xA  }
0xb6: {  	s30 =	simm.s32 @!p3 $0x7A1400;
	p1 =	por p1, p2;
	s13 =	sand.u32 @!p3 $0x3FFF8000, s13  }
0xb7: {  	s23 =	sand.u32 @!p3 $0x1FFFFC00, s29;
	s29 =	simm.s32 @!p3 $0x2000;
	s5 =	sshll.u32 @!p1 s6, $0xF  }
0xb8: {  	s13 =	sor.u32 @!p3 $0x4000, s13;
	s23 =	sadd.s32 @!p3 s3, s23;
	s5 =	sand.u32 @!p1 $0x3FFF8000, s5  }
0xb9: {  	[tilespmem:s13], [sflag:$0x1] =	stream.strided.gather @!p3 [hbm4b:s23+s29], $0x8000, s30, s29, $0x38;
	[tilespmem:$0x1FE00] =	vst v63  }
0xba: {  	s6 =	sor.u32 @!p1 $0x4000, s5;
	s13 =	simm.s32 @!p1 $0x0  }
0xbb: {  	[tilespmem:s6], [sflag:$0x1] =	stream.linear.gather @!p1 [hbm4b:s12+s13], $0x1000, $0x38;
	[tilespmem:$0x1FE00] =	vst v63  }
0xbc: {  	s23 =	sor.u32 @!p1 $0x6000, s5;
	s6 =	sadd.s32 @!p1 $0xF4280, s12  }
0xbd: {  	[tilespmem:s23], [sflag:$0x1] =	stream.linear.gather @!p1 [hbm4b:s6+s13], $0x1000, $0x38;
	[tilespmem:$0x1FE00] =	vst v63  }
.Ltmp8:
0xbe: {  	_ = 	snop;
	(pc) =	sbr.rel @p0 .LBB2_14-.Ltmp8, $4  }
0xbf: {  	s6 =	sadd.s32 @!p1 $0x1E8500, s12;
	s23 =	sadd.s32 @!p1 $0x8000, s5  }
0xc0: {  	[tilespmem:s23], [sflag:$0x1] =	stream.linear.gather @!p1 [hbm4b:s6+s13], $0x1000, $0x38;
	[tilespmem:$0x1FE00] =	vst v63  }
0xc1: {  	s5 =	sadd.s32 @!p1 $0xA000, s5;
	s6 =	sadd.s32 @!p1 $0x2DC780, s12;
	s23 =	simm.s32 $0x0  }
0xc2: {  	[tilespmem:s5], [sflag:$0x1] =	stream.linear.gather @!p1 [hbm4b:s6+s13], $0x1000, $0x38;
	[tilespmem:$0x1FE00] =	vst v63  }
0xc3: {  	p2 =	sne.s32 s26, $0x1  }
.Ltmp9:
0xc4: {  	_ = 	snop;
	(pc) =	sbr.rel @!p2 .LBB2_9-.Ltmp9, $3  }
0xc5: {  	_ =	sdelay $0x1  }
0xc6: {  	s5 =	simm.s32 $0x1C000;
	s23 =	simm.s32 $0x1CB80  }
0xc7: {  	v8 =	vmov s0;
	s13 =	simm.s32 $0x0;
	p1 =	por $0x0, $0x0;
	v9 =	vld [tilespmem:s5+$0x0];
	s5 =	sadd.s32 $0xFFFFFFFF, s26  }
0xc8: {  	_ =	sdelay $0x3  }
0xc9: {  	v11 =	vor.u32 s13, v3;
	v12 =	vshrl.u32 v9, $0xA  }
0xca: {  	vm1 =	vlt.s32 v11, v7;
	vm2 =	veq.s32 v12, v8  }
0xcb: {  	vm1 =	vmand vm1, vm2  }
0xcc: {  	v11 =	vmpcnt.ones.xlane vm1;
	_ =	sdelay $0x1  }
0xcd: {  	v10 =	vld [tilespmem:s23+$0x0];
	(v2sf) =	vpush v11, $0x0  }
0xce: {  	p2 =	sne.s32 s5, $0x1  }
.Ltmp10:
0xcf: {  	_ = 	snop;
	(pc) =	sbr.rel @!p2 .LBB2_11-.Ltmp10, $4  }
0xd0: {  	_ = 	snop  }
0xd1: {  	[tilespmem:s13+$0x1D700] =	vst.msk vm1, v9  }
0xd2: {  	s31 =	simm.s32 $0x1C010;
	s6 =	sadd.s32 $0xFFFFFFFF, s5;
	p1 =	por $0x1, $0x1;
	[tilespmem:s13+$0x1E280] =	vst.msk vm1, v10  }
0xd3: {  	s5 =	simm.s32 $0x0;
	s29 =	simm.s32 $0x1CB80;
	s30 =	simm.s32 $0x0;
	v9 =	vld [tilespmem:s31+$0x0]  }
.LBB2_12:
0xd4: {  	p2 =	sne.s32 s6, $0x1;
	_ =	sdelay $0x2  }
0xd5: {  	s5 =	sadd.s32 $0x10, s5  }
0xd6: {  	v10 =	vor.u32 s5, v3;
	v11 =	vshrl.u32 v9, $0xA  }
0xd7: {  	s29 =	sadd.s32 $0x10, s29;
	vm1 =	vlt.s32 v10, v7;
	vm2 =	veq.s32 v11, v8  }
0xd8: {  	v10 =	vld [tilespmem:s29+$0x0];
	vm1 =	vmand vm1, vm2  }
0xd9: {  	v11 =	vmpcnt.ones.xlane vm1  }
0xda: {  	s21 =	spop (v2sf)  }
0xdb: {  	(v2sf) =	vpush v11, $0x0;
	s30 =	sadd.s32 s30, s21  }
0xdc: {  	[tilespmem:s30+$0x1D700] =	vst.msk vm1, v9  }
.Ltmp11:
0xdd: {  	[tilespmem:s30+$0x1E280] =	vst.msk vm1, v10;
	(pc) =	sbr.rel @p2 .LBB2_12-.Ltmp11, $3  }
0xde: {  	_ =	sdelay $0x1  }
0xdf: {  	s31 =	sadd.s32 $0x10, s31  }
0xe0: {  	s6 =	sadd.s32 $0xFFFFFFFF, s6;
	v9 =	vld [tilespmem:s31+$0x0]  }
.LBB2_13:
0xe1: {  	_ =	sdelay $0x1  }
0xe2: {  	s5 =	sadd.s32 @p1 $0x10, s5;
	s6 =	simm.s32 $0x0  }
0xe3: {  	s6 =	smov.u32 @p1 s5  }
0xe4: {  	v10 =	vor.u32 s6, v3;
	v11 =	vshrl.u32 v9, $0xA  }
0xe5: {  	vm1 =	vlt.s32 v10, v7;
	vm2 =	veq.s32 v11, v8  }
0xe6: {  	vm1 =	vmand vm1, vm2  }
0xe7: {  	v8 =	vmpcnt.ones.xlane vm1;
	_ =	sdelay $0x1  }
0xe8: {  	(v2sf) =	vpush v8, $0x0;
	_ =	sdelay $0x8  }
0xe9: {  	s5 =	sadd.s32 @p1 $0x10, s29  }
0xea: {  	s23 =	smov.u32 @p1 s5  }
0xeb: {  	v8 =	vld [tilespmem:s23+$0x0]  }
0xec: {  	s5 =	spop @p1 (v2sf)  }
0xed: {  	s5 =	sadd.s32 @p1 s30, s5  }
0xee: {  	s13 =	smov.u32 @p1 s5  }
0xef: {  	[tilespmem:s13+$0x1D700] =	vst.msk vm1, v9;
	s31 =	spop (v2sf)  }
0xf0: {  	[tilespmem:s13+$0x1E280] =	vst.msk vm1, v8;
	s23 =	sadd.s32 s13, s31  }
.LBB2_14:
0xf1: {  	s5 =	sadd.s32 $0xF, s23  }
0xf2: {  	s6 =	sand.u32 $0xF, s5  }
0xf3: {  	s13 =	sshra.s32 s5, $0x1F;
	p1 =	slt.s32 s5, $0x1;
	p2 =	sne.s32 s6, $0x0  }
0xf4: {  	s31 =	sshrl.u32 s13, $0x1C;
	p1 =	por !p1, !p2  }
0xf5: {  	s6 =	simm.s32 $0x1;
	s5 =	sadd.s32 s31, s5;
	p1 =	por !p1, !p1  }
0xf6: {  	s5 =	sshra.s32 s5, $0x4;
	s6 =	simm.s32 @!p1 $0x0  }
0xf7: {  	s29 =	ssub.s32 s5, s6  }
0xf8: {  	p1 =	slt.s32 s29, $0x1  }
.Ltmp12:
0xf9: {  	_ = 	snop;
	(pc) =	sbr.rel @p1 .LBB2_20-.Ltmp12, $1  }
0xfa: {  	_ =	sdelay $0x3  }
0xfb: {  	s30 =	simm.s32 $0x1D700  }
0xfc: {  	v9 =	vld [tilespmem:s30+$0x0];
	_ =	sdelay $0x2  }
0xfd: {  	s0 =	sshll.u32 s0, $0xA  }
0xfe: {  	v8 =	vmov s0  }
0xff: {  	v9 =	vsub.s32 v9, v8  }
0x100: {  	vm1 =	vgt.s32 v9, $0x0  }
0x101: {  	v9 =	vnsel vm1, $0x0, v9  }
0x102: {  	v12 =	vmin.u32 v9, $0x3FF  }
0x103: {  	v9 =	vbroadcast v12, $0x0  }
0x104: {  	s13 =	sshll.u32 s7, $0xF  }
0x105: {  	v10 =	vor.u32 s13, v4;
	v11 =	vand.u32 $0x7F, v9;
	v13 =	vshll.u32 v9, $0x3  }
0x106: {  	v9 =	vor.u32 s13, v5;
	v13 =	vand.u32 $0x1C00, v13;
	v14 =	vor.u32 v11, v10  }
0x107: {  	p1 =	por $0x1, $0x1;
	v15 =	vor.u32 v11, v9;
	v14 =	vor.u32 v13, v14  }
0x108: {  	s21 =	simm.s32 $0x1E280;
	s0 =	simm.s32 @!p1 $0x2;
	v13 =	vor.u32 v13, v15  }
0x109: {  	v11 =	vld [tilespmem:s21+$0x0];
	_ =	swait.ge @!p1 [sflag:s0], $0x800  }
0x10a: {  	v15 =	vbroadcast v12, $0x1;
	[sflag:s0] =	ssyncset.done @!p1 $0x0  }
0x10b: {  	[sflag:s0] =	ssyncadd.s32 @!p1 $0xFFFFF800  }
0x10c: {  	v16 =	vand.u32 $0x7F, v15;
	v15 =	vshll.u32 v15, $0x3;
	v14 =	vld.idx.msk [tilespmem:v14+s20+$0x0], $0xffff  }
0x10d: {  	v15 =	vand.u32 $0x1C00, v15;
	v17 =	vor.u32 v16, v10;
	v13 =	vld.idx.msk [tilespmem:v13+s20+$0x0], $0xffff  }
0x10e: {  	v16 =	vor.u32 v16, v9;
	v17 =	vor.u32 v15, v17  }
0x10f: {  	s31 =	simm.s32 $0x0;
	v15 =	vor.u32 v15, v16  }
0x110: {  	s7 =	sand.u32 $0x800, s31  }
0x111: {  	v16 =	vbroadcast v12, $0x2;
	[tilespmem:s7+$0x1EE00] =	vst v14  }
0x112: {  	[tilespmem:s7+$0x1EE10] =	vst v13  }
0x113: {  	v13 =	vand.u32 $0x7F, v16;
	v14 =	vshll.u32 v16, $0x3;
	v16 =	vld.idx.msk [tilespmem:v17+s20+$0x0], $0xffff  }
0x114: {  	v17 =	vor.u32 v13, v10;
	v15 =	vld.idx.msk [tilespmem:v15+s20+$0x0], $0xffff;
	v14 =	vand.u32 $0x1C00, v14  }
0x115: {  	v13 =	vor.u32 v13, v9;
	v17 =	vor.u32 v14, v17  }
0x116: {  	v13 =	vor.u32 v14, v13;
	_ =	sdelay $0x1  }
0x117: {  	v14 =	vbroadcast v12, $0x3;
	[tilespmem:s7+$0x1EE80] =	vst v16  }
0x118: {  	[tilespmem:s7+$0x1EE90] =	vst v15  }
0x119: {  	v15 =	vand.u32 $0x7F, v14;
	v14 =	vshll.u32 v14, $0x3;
	v16 =	vld.idx.msk [tilespmem:v17+s20+$0x0], $0xffff  }
0x11a: {  	v17 =	vor.u32 v15, v10;
	v13 =	vld.idx.msk [tilespmem:v13+s20+$0x0], $0xffff;
	v14 =	vand.u32 $0x1C00, v14  }
0x11b: {  	v15 =	vor.u32 v15, v9;
	v17 =	vor.u32 v14, v17  }
0x11c: {  	v14 =	vor.u32 v14, v15;
	_ =	sdelay $0x1  }
0x11d: {  	v15 =	vbroadcast v12, $0x4;
	[tilespmem:s7+$0x1EF00] =	vst v16  }
0x11e: {  	[tilespmem:s7+$0x1EF10] =	vst v13  }
0x11f: {  	v13 =	vand.u32 $0x7F, v15;
	v15 =	vshll.u32 v15, $0x3;
	v16 =	vld.idx.msk [tilespmem:v17+s20+$0x0], $0xffff  }
0x120: {  	v15 =	vand.u32 $0x1C00, v15;
	v17 =	vor.u32 v13, v10;
	v14 =	vld.idx.msk [tilespmem:v14+s20+$0x0], $0xffff  }
0x121: {  	v13 =	vor.u32 v13, v9;
	v17 =	vor.u32 v15, v17  }
0x122: {  	v13 =	vor.u32 v15, v13;
	_ =	sdelay $0x1  }
0x123: {  	v15 =	vbroadcast v12, $0x5;
	[tilespmem:s7+$0x1EF80] =	vst v16  }
0x124: {  	[tilespmem:s7+$0x1EF90] =	vst v14  }
0x125: {  	v14 =	vand.u32 $0x7F, v15;
	v15 =	vshll.u32 v15, $0x3;
	v16 =	vld.idx.msk [tilespmem:v17+s20+$0x0], $0xffff  }
0x126: {  	v17 =	vor.u32 v14, v10;
	v13 =	vld.idx.msk [tilespmem:v13+s20+$0x0], $0xffff;
	v15 =	vand.u32 $0x1C00, v15  }
0x127: {  	v14 =	vor.u32 v14, v9;
	v17 =	vor.u32 v15, v17  }
0x128: {  	v14 =	vor.u32 v15, v14;
	_ =	sdelay $0x1  }
0x129: {  	v15 =	vbroadcast v12, $0x6;
	[tilespmem:s7+$0x1F000] =	vst v16  }
0x12a: {  	[tilespmem:s7+$0x1F010] =	vst v13  }
0x12b: {  	v13 =	vand.u32 $0x7F, v15;
	v15 =	vshll.u32 v15, $0x3;
	v16 =	vld.idx.msk [tilespmem:v17+s20+$0x0], $0xffff  }
0x12c: {  	v15 =	vand.u32 $0x1C00, v15;
	v17 =	vor.u32 v13, v10;
	v14 =	vld.idx.msk [tilespmem:v14+s20+$0x0], $0xffff  }
0x12d: {  	v13 =	vor.u32 v13, v9;
	v17 =	vor.u32 v15, v17  }
0x12e: {  	v13 =	vor.u32 v15, v13;
	_ =	sdelay $0x1  }
0x12f: {  	v15 =	vbroadcast v12, $0x7;
	[tilespmem:s7+$0x1F080] =	vst v16  }
0x130: {  	[tilespmem:s7+$0x1F090] =	vst v14  }
0x131: {  	v14 =	vand.u32 $0x7F, v15;
	v15 =	vshll.u32 v15, $0x3;
	v16 =	vld.idx.msk [tilespmem:v17+s20+$0x0], $0xffff  }
0x132: {  	v17 =	vor.u32 v14, v10;
	v15 =	vand.u32 $0x1C00, v15;
	v13 =	vld.idx.msk [tilespmem:v13+s20+$0x0], $0xffff  }
0x133: {  	v14 =	vor.u32 v14, v9;
	v17 =	vor.u32 v15, v17  }
0x134: {  	v14 =	vor.u32 v15, v14;
	_ =	sdelay $0x1  }
0x135: {  	v15 =	vbroadcast v12, $0x8;
	[tilespmem:s7+$0x1F100] =	vst v16  }
0x136: {  	[tilespmem:s7+$0x1F110] =	vst v13  }
0x137: {  	v13 =	vand.u32 $0x7F, v15;
	v15 =	vshll.u32 v15, $0x3;
	v16 =	vld.idx.msk [tilespmem:v17+s20+$0x0], $0xffff  }
0x138: {  	v17 =	vor.u32 v13, v10;
	v15 =	vand.u32 $0x1C00, v15;
	v14 =	vld.idx.msk [tilespmem:v14+s20+$0x0], $0xffff  }
0x139: {  	v13 =	vor.u32 v13, v9;
	v17 =	vor.u32 v15, v17  }
0x13a: {  	v13 =	vor.u32 v15, v13;
	_ =	sdelay $0x1  }
0x13b: {  	v15 =	vbroadcast v12, $0x9;
	[tilespmem:s7+$0x1F180] =	vst v16  }
0x13c: {  	[tilespmem:s7+$0x1F190] =	vst v14  }
0x13d: {  	v14 =	vand.u32 $0x7F, v15;
	v15 =	vshll.u32 v15, $0x3;
	v16 =	vld.idx.msk [tilespmem:v17+s20+$0x0], $0xffff  }
0x13e: {  	v17 =	vor.u32 v14, v10;
	v15 =	vand.u32 $0x1C00, v15;
	v13 =	vld.idx.msk [tilespmem:v13+s20+$0x0], $0xffff  }
0x13f: {  	v14 =	vor.u32 v14, v9;
	v17 =	vor.u32 v15, v17  }
0x140: {  	v14 =	vor.u32 v15, v14;
	_ =	sdelay $0x1  }
0x141: {  	v15 =	vbroadcast v12, $0xA;
	[tilespmem:s7+$0x1F200] =	vst v16  }
0x142: {  	[tilespmem:s7+$0x1F210] =	vst v13  }
0x143: {  	v13 =	vand.u32 $0x7F, v15;
	v15 =	vshll.u32 v15, $0x3;
	v16 =	vld.idx.msk [tilespmem:v17+s20+$0x0], $0xffff  }
0x144: {  	v15 =	vand.u32 $0x1C00, v15;
	v17 =	vor.u32 v13, v10;
	v14 =	vld.idx.msk [tilespmem:v14+s20+$0x0], $0xffff  }
0x145: {  	v13 =	vor.u32 v13, v9;
	v17 =	vor.u32 v15, v17  }
0x146: {  	v13 =	vor.u32 v15, v13;
	_ =	sdelay $0x1  }
0x147: {  	v15 =	vbroadcast v12, $0xB;
	[tilespmem:s7+$0x1F280] =	vst v16  }
0x148: {  	[tilespmem:s7+$0x1F290] =	vst v14  }
0x149: {  	v14 =	vand.u32 $0x7F, v15;
	v15 =	vshll.u32 v15, $0x3;
	v16 =	vld.idx.msk [tilespmem:v17+s20+$0x0], $0xffff  }
0x14a: {  	v17 =	vor.u32 v14, v10;
	v15 =	vand.u32 $0x1C00, v15;
	v13 =	vld.idx.msk [tilespmem:v13+s20+$0x0], $0xffff  }
0x14b: {  	v14 =	vor.u32 v14, v9;
	v17 =	vor.u32 v15, v17  }
0x14c: {  	v14 =	vor.u32 v15, v14;
	_ =	sdelay $0x1  }
0x14d: {  	v15 =	vbroadcast v12, $0xC;
	[tilespmem:s7+$0x1F300] =	vst v16  }
0x14e: {  	[tilespmem:s7+$0x1F310] =	vst v13  }
0x14f: {  	v13 =	vand.u32 $0x7F, v15;
	v15 =	vshll.u32 v15, $0x3;
	v16 =	vld.idx.msk [tilespmem:v17+s20+$0x0], $0xffff  }
0x150: {  	v15 =	vand.u32 $0x1C00, v15;
	v14 =	vld.idx.msk [tilespmem:v14+s20+$0x0], $0xffff;
	v17 =	vor.u32 v13, v10  }
0x151: {  	v13 =	vor.u32 v13, v9;
	v17 =	vor.u32 v15, v17  }
0x152: {  	v13 =	vor.u32 v15, v13;
	_ =	sdelay $0x1  }
0x153: {  	v15 =	vbroadcast v12, $0xD;
	[tilespmem:s7+$0x1F380] =	vst v16  }
0x154: {  	[tilespmem:s7+$0x1F390] =	vst v14  }
0x155: {  	v14 =	vand.u32 $0x7F, v15;
	v15 =	vshll.u32 v15, $0x3;
	v16 =	vld.idx.msk [tilespmem:v17+s20+$0x0], $0xffff  }
0x156: {  	v15 =	vand.u32 $0x1C00, v15;
	v17 =	vor.u32 v14, v10;
	v13 =	vld.idx.msk [tilespmem:v13+s20+$0x0], $0xffff  }
0x157: {  	v17 =	vor.u32 v15, v17  }
0x158: {  	v14 =	vor.u32 v14, v9  }
0x159: {  	v14 =	vor.u32 v15, v14  }
0x15a: {  	[tilespmem:s7+$0x1F400] =	vst v16  }
0x15b: {  	v15 =	vbroadcast v12, $0xE;
	[tilespmem:s7+$0x1F410] =	vst v13  }
0x15c: {  	v13 =	vld.idx.msk [tilespmem:v17+s20+$0x0], $0xffff  }
0x15d: {  	v16 =	vbroadcast v12, $0xF;
	v17 =	vand.u32 $0x7F, v15  }
0x15e: {  	v18 =	vld.idx.msk [tilespmem:v14+s20+$0x0], $0xffff;
	v14 =	vshll.u32 v15, $0x3;
	v15 =	vor.u32 v17, v9  }
0x15f: {  	p1 =	sne.s32 s29, $0x1;
	v12 =	vand.u32 $0x7F, v16;
	v19 =	vand.u32 $0x1C00, v14;
	v14 =	vshll.u32 v16, $0x3  }
.Ltmp13:
0x160: {  	v17 =	vor.u32 v17, v10;
	v16 =	vor.u32 v12, v10;
	v14 =	vand.u32 $0x1C00, v14;
	(pc) =	sbr.rel @!p1 .LBB2_17-.Ltmp13, $4  }
0x161: {  	[tilespmem:s7+$0x1F480] =	vst v13;
	v13 =	vor.u32 v14, v16;
	v16 =	vor.u32 v19, v17  }
0x162: {  	v20 =	vmov s23;
	v15 =	vor.u32 v19, v15  }
0x163: {  	s23 =	sadd.s32 $0xFFFFFFF0, s23;
	vm1 =	vgt.s32 v20, v3  }
0x164: {  	s5 =	sadd.s32 $0x1EE00, s7;
	s13 =	simm.s32 $0x1E290;
	s0 =	simm.s32 $0x1;
	v11 =	vsel vm1, v11, v6;
	[tilespmem:s7+$0x1F490] =	vst v18  }
.LBB2_16:
0x165: {  	s31 =	sadd.s32 $0x800, s31  }
0x166: {  	v16 =	vld.idx.msk [tilespmem:v16+s20+$0x0], $0xffff;
	s30 =	sadd.s32 $0x10, s30;
	s6 =	smov.u32 s0;
	s0 =	sadd.s32 $0x1, s0  }
0x167: {  	p1 =	sne.s32 s29, s0;
	v15 =	vld.idx.msk [tilespmem:v15+s20+$0x0], $0xffff  }
0x168: {  	v12 =	vor.u32 v12, v9  }
0x169: {  	v12 =	vor.u32 v14, v12;
	_ =	sdelay $0x2  }
0x16a: {  	[tilespmem:s7+$0x1F500] =	vst v16  }
0x16b: {  	[tilespmem:s7+$0x1F510] =	vst v15  }
0x16c: {  	v13 =	vld.idx.msk [tilespmem:v13+s20+$0x0], $0xffff  }
0x16d: {  	v12 =	vld.idx.msk [tilespmem:v12+s20+$0x0], $0xffff;
	_ =	sdelay $0x4  }
0x16e: {  	[tilespmem:s7+$0x1F580] =	vst v13  }
0x16f: {  	[tilespmem:s7+$0x1F590] =	vst v12  }
0x170: {  	[hbm4b:s8+s9] =	stream.indirect_vreg.scatter [tilespmem:s5], [sflag:$0x2], $0x80, v11, vm0, $0xb8;
	[tilespmem:$0x1FE00] =	vst v63  }
0x171: {  	v12 =	vld [tilespmem:s30+$0x0]  }
0x172: {  	v11 =	vld [tilespmem:s13+$0x0];
	_ =	sdelay $0x3  }
0x173: {  	v12 =	vsub.s32 v12, v8  }
0x174: {  	vm1 =	vgt.s32 v12, $0x0  }
0x175: {  	v12 =	vnsel vm1, $0x0, v12  }
0x176: {  	v12 =	vmin.u32 v12, $0x3FF  }
0x177: {  	v13 =	vbroadcast v12, $0x0;
	v14 =	vbroadcast v12, $0x1  }
0x178: {  	v15 =	vbroadcast v12, $0x2;
	v16 =	vbroadcast v12, $0x3  }
0x179: {  	v17 =	vand.u32 $0x7F, v13;
	v13 =	vshll.u32 v13, $0x3;
	v18 =	vand.u32 $0x7F, v14  }
0x17a: {  	v13 =	vand.u32 $0x1C00, v13;
	v19 =	vor.u32 v17, v10;
	v17 =	vor.u32 v17, v9  }
0x17b: {  	p2 =	slt.u32 s6, $0x2;
	v14 =	vshll.u32 v14, $0x3;
	v19 =	vor.u32 v13, v19;
	v13 =	vor.u32 v13, v17  }
0x17c: {  	s5 =	simm.s32 @!p2 $0x2;
	v14 =	vand.u32 $0x1C00, v14;
	v17 =	vor.u32 v18, v10;
	v18 =	vor.u32 v18, v9  }
0x17d: {  	v17 =	vor.u32 v14, v17;
	v14 =	vor.u32 v14, v18;
	v18 =	vand.u32 $0x7F, v15;
	_ =	swait.ge @!p2 [sflag:s5], $0x800  }
0x17e: {  	v15 =	vshll.u32 v15, $0x3;
	v20 =	vor.u32 v18, v10;
	v18 =	vor.u32 v18, v9;
	[sflag:s5] =	ssyncset.done @!p2 $0x0  }
0x17f: {  	v22 =	vbroadcast v12, $0x4;
	v21 =	vand.u32 $0x7F, v16;
	v16 =	vshll.u32 v16, $0x3;
	[sflag:s5] =	ssyncadd.s32 @!p2 $0xFFFFF800  }
0x180: {  	v25 =	vor.u32 v21, v10;
	v27 =	vor.u32 v21, v9;
	v21 =	vbroadcast v12, $0x5;
	v19 =	vld.idx.msk [tilespmem:v19+s20+$0x0], $0xffff  }
0x181: {  	v24 =	vbroadcast v12, $0x6;
	v23 =	vand.u32 $0x7F, v22;
	v22 =	vshll.u32 v22, $0x3;
	v13 =	vld.idx.msk [tilespmem:v13+s20+$0x0], $0xffff  }
0x182: {  	v22 =	vand.u32 $0x1C00, v22;
	v26 =	vor.u32 v23, v10;
	v23 =	vor.u32 v23, v9  }
0x183: {  	v28 =	vor.u32 v22, v26;
	v29 =	vor.u32 v22, v23;
	v22 =	vand.u32 $0x7F, v21  }
0x184: {  	v30 =	vshll.u32 v21, $0x3;
	v31 =	vor.u32 v22, v10;
	v32 =	vor.u32 v22, v9  }
0x185: {  	s7 =	sand.u32 $0x800, s31;
	v23 =	vbroadcast v12, $0x7;
	v21 =	vand.u32 $0x7F, v24;
	v22 =	vshll.u32 v24, $0x3  }
0x186: {  	[tilespmem:s7+$0x1EE00] =	vst v19;
	v19 =	vand.u32 $0x1C00, v22;
	v22 =	vor.u32 v21, v10;
	v21 =	vor.u32 v21, v9  }
0x187: {  	[tilespmem:s7+$0x1EE10] =	vst v13;
	v22 =	vor.u32 v19, v22;
	v21 =	vor.u32 v19, v21;
	v13 =	vand.u32 $0x7F, v23  }
0x188: {  	v19 =	vshll.u32 v23, $0x3;
	v17 =	vld.idx.msk [tilespmem:v17+s20+$0x0], $0xffff;
	v23 =	vor.u32 v13, v10;
	v13 =	vor.u32 v13, v9  }
0x189: {  	v33 =	vbroadcast v12, $0x9;
	v26 =	vbroadcast v12, $0x8;
	v19 =	vand.u32 $0x1C00, v19;
	v14 =	vld.idx.msk [tilespmem:v14+s20+$0x0], $0xffff  }
0x18a: {  	v15 =	vand.u32 $0x1C00, v15;
	v24 =	vor.u32 v19, v23;
	v23 =	vor.u32 v19, v13  }
0x18b: {  	v13 =	vor.u32 v15, v20;
	v15 =	vor.u32 v15, v18;
	v18 =	vand.u32 $0x7F, v26  }
0x18c: {  	v19 =	vshll.u32 v26, $0x3;
	v20 =	vor.u32 v18, v10;
	v18 =	vor.u32 v18, v9  }
0x18d: {  	v26 =	vand.u32 $0x7F, v33;
	v33 =	vshll.u32 v33, $0x3;
	v19 =	vand.u32 $0x1C00, v19  }
0x18e: {  	v34 =	vor.u32 v19, v20;
	v35 =	vor.u32 v19, v18;
	[tilespmem:s7+$0x1EE80] =	vst v17;
	v17 =	vor.u32 v26, v10  }
0x18f: {  	v18 =	vor.u32 v26, v9;
	v19 =	vbroadcast v12, $0xA;
	[tilespmem:s7+$0x1EE90] =	vst v14;
	v14 =	vand.u32 $0x1C00, v33  }
0x190: {  	v13 =	vld.idx.msk [tilespmem:v13+s20+$0x0], $0xffff;
	v33 =	vor.u32 v14, v17;
	v26 =	vor.u32 v14, v18;
	v14 =	vbroadcast v12, $0xB  }
0x191: {  	v17 =	vand.u32 $0x7F, v19;
	v18 =	vshll.u32 v19, $0x3;
	v19 =	vbroadcast v12, $0xC;
	v15 =	vld.idx.msk [tilespmem:v15+s20+$0x0], $0xffff  }
0x192: {  	v16 =	vand.u32 $0x1C00, v16;
	v18 =	vand.u32 $0x1C00, v18;
	v20 =	vor.u32 v17, v10  }
0x193: {  	v36 =	vor.u32 v16, v25;
	v16 =	vor.u32 v16, v27;
	v17 =	vor.u32 v17, v9  }
0x194: {  	v27 =	vor.u32 v18, v20;
	v37 =	vor.u32 v18, v17;
	v38 =	vand.u32 $0x7F, v14  }
0x195: {  	v14 =	vshll.u32 v14, $0x3;
	v20 =	vand.u32 $0x7F, v19;
	v17 =	vor.u32 v38, v10  }
0x196: {  	v39 =	vand.u32 $0x1C00, v14;
	v14 =	vbroadcast v12, $0xD;
	[tilespmem:s7+$0x1EF00] =	vst v13;
	v13 =	vshll.u32 v19, $0x3  }
0x197: {  	v40 =	vor.u32 v39, v17;
	[tilespmem:s7+$0x1EF10] =	vst v15;
	v25 =	vand.u32 $0x1C00, v13;
	v13 =	vbroadcast v12, $0xE  }
0x198: {  	v41 =	vbroadcast v12, $0xF;
	v15 =	vand.u32 $0x7F, v14;
	v14 =	vshll.u32 v14, $0x3;
	v36 =	vld.idx.msk [tilespmem:v36+s20+$0x0], $0xffff  }
0x199: {  	v12 =	vand.u32 $0x1C00, v14;
	v14 =	vor.u32 v15, v10;
	v15 =	vor.u32 v15, v9;
	v42 =	vld.idx.msk [tilespmem:v16+s20+$0x0], $0xffff  }
0x19a: {  	v19 =	vor.u32 v12, v14;
	v17 =	vor.u32 v12, v15;
	v16 =	vand.u32 $0x7F, v13  }
0x19b: {  	v13 =	vshll.u32 v13, $0x3;
	v12 =	vand.u32 $0x7F, v41;
	v14 =	vor.u32 v16, v9  }
0x19c: {  	v18 =	vand.u32 $0x1C00, v13;
	v13 =	vshll.u32 v41, $0x3;
	v41 =	vor.u32 v12, v10  }
0x19d: {  	v15 =	vor.u32 v18, v14;
	v14 =	vand.u32 $0x1C00, v13  }
0x19e: {  	v13 =	vor.u32 v14, v41;
	[tilespmem:s7+$0x1EF80] =	vst v36  }
0x19f: {  	[tilespmem:s7+$0x1EF90] =	vst v42  }
0x1a0: {  	v28 =	vld.idx.msk [tilespmem:v28+s20+$0x0], $0xffff  }
0x1a1: {  	v29 =	vld.idx.msk [tilespmem:v29+s20+$0x0], $0xffff  }
0x1a2: {  	v30 =	vand.u32 $0x1C00, v30  }
0x1a3: {  	v31 =	vor.u32 v30, v31;
	v30 =	vor.u32 v30, v32;
	_ =	sdelay $0x2  }
0x1a4: {  	[tilespmem:s7+$0x1F000] =	vst v28  }
0x1a5: {  	[tilespmem:s7+$0x1F010] =	vst v29  }
0x1a6: {  	v28 =	vld.idx.msk [tilespmem:v31+s20+$0x0], $0xffff  }
0x1a7: {  	v29 =	vld.idx.msk [tilespmem:v30+s20+$0x0], $0xffff;
	_ =	sdelay $0x4  }
0x1a8: {  	[tilespmem:s7+$0x1F080] =	vst v28  }
0x1a9: {  	[tilespmem:s7+$0x1F090] =	vst v29  }
0x1aa: {  	v22 =	vld.idx.msk [tilespmem:v22+s20+$0x0], $0xffff  }
0x1ab: {  	v21 =	vld.idx.msk [tilespmem:v21+s20+$0x0], $0xffff;
	_ =	sdelay $0x4  }
0x1ac: {  	[tilespmem:s7+$0x1F100] =	vst v22  }
0x1ad: {  	[tilespmem:s7+$0x1F110] =	vst v21  }
0x1ae: {  	v21 =	vld.idx.msk [tilespmem:v24+s20+$0x0], $0xffff  }
0x1af: {  	v22 =	vld.idx.msk [tilespmem:v23+s20+$0x0], $0xffff;
	_ =	sdelay $0x4  }
0x1b0: {  	[tilespmem:s7+$0x1F180] =	vst v21  }
0x1b1: {  	[tilespmem:s7+$0x1F190] =	vst v22  }
0x1b2: {  	v21 =	vld.idx.msk [tilespmem:v34+s20+$0x0], $0xffff  }
0x1b3: {  	v22 =	vld.idx.msk [tilespmem:v35+s20+$0x0], $0xffff;
	_ =	sdelay $0x4  }
0x1b4: {  	[tilespmem:s7+$0x1F200] =	vst v21  }
0x1b5: {  	[tilespmem:s7+$0x1F210] =	vst v22  }
0x1b6: {  	v21 =	vld.idx.msk [tilespmem:v33+s20+$0x0], $0xffff  }
0x1b7: {  	v22 =	vld.idx.msk [tilespmem:v26+s20+$0x0], $0xffff;
	_ =	sdelay $0x4  }
0x1b8: {  	[tilespmem:s7+$0x1F280] =	vst v21  }
0x1b9: {  	[tilespmem:s7+$0x1F290] =	vst v22  }
0x1ba: {  	v21 =	vld.idx.msk [tilespmem:v27+s20+$0x0], $0xffff  }
0x1bb: {  	v22 =	vld.idx.msk [tilespmem:v37+s20+$0x0], $0xffff  }
0x1bc: {  	v23 =	vor.u32 v38, v9  }
0x1bd: {  	v23 =	vor.u32 v39, v23;
	_ =	sdelay $0x2  }
0x1be: {  	[tilespmem:s7+$0x1F300] =	vst v21  }
0x1bf: {  	[tilespmem:s7+$0x1F310] =	vst v22  }
0x1c0: {  	v21 =	vld.idx.msk [tilespmem:v40+s20+$0x0], $0xffff  }
0x1c1: {  	v22 =	vld.idx.msk [tilespmem:v23+s20+$0x0], $0xffff  }
0x1c2: {  	v23 =	vor.u32 v20, v10;
	v20 =	vor.u32 v20, v9  }
0x1c3: {  	v23 =	vor.u32 v25, v23;
	v20 =	vor.u32 v25, v20;
	_ =	sdelay $0x2  }
0x1c4: {  	[tilespmem:s7+$0x1F380] =	vst v21  }
0x1c5: {  	[tilespmem:s7+$0x1F390] =	vst v22  }
0x1c6: {  	v21 =	vld.idx.msk [tilespmem:v23+s20+$0x0], $0xffff  }
0x1c7: {  	v20 =	vld.idx.msk [tilespmem:v20+s20+$0x0], $0xffff;
	_ =	sdelay $0x4  }
0x1c8: {  	[tilespmem:s7+$0x1F400] =	vst v21  }
0x1c9: {  	[tilespmem:s7+$0x1F410] =	vst v20  }
0x1ca: {  	v19 =	vld.idx.msk [tilespmem:v19+s20+$0x0], $0xffff  }
0x1cb: {  	v20 =	vmov s23;
	v17 =	vld.idx.msk [tilespmem:v17+s20+$0x0], $0xffff  }
0x1cc: {  	v16 =	vor.u32 v16, v10;
	vm1 =	vgt.s32 v20, v3  }
.Ltmp14:
0x1cd: {  	v16 =	vor.u32 v18, v16;
	v11 =	vsel vm1, v11, v6;
	(pc) =	sbr.rel @p1 .LBB2_16-.Ltmp14, $3  }
0x1ce: {  	_ =	sdelay $0x1  }
0x1cf: {  	[tilespmem:s7+$0x1F480] =	vst v19  }
0x1d0: {  	s13 =	sadd.s32 $0x10, s13;
	s5 =	sadd.s32 $0x1EE00, s7;
	s23 =	sadd.s32 $0xFFFFFFF0, s23;
	[tilespmem:s7+$0x1F490] =	vst v17  }
.LBB2_17:
0x1d1: {  	_ =	sdelay $0x3  }
0x1d2: {  	v8 =	vld.idx.msk [tilespmem:v16+s20+$0x0], $0xffff  }
0x1d3: {  	v10 =	vld.idx.msk [tilespmem:v15+s20+$0x0], $0xffff  }
0x1d4: {  	v9 =	vor.u32 v12, v9  }
0x1d5: {  	v9 =	vor.u32 v14, v9;
	_ =	sdelay $0x1  }
0x1d6: {  	[tilespmem:s7+$0x1F500] =	vst v8  }
0x1d7: {  	[tilespmem:s7+$0x1F510] =	vst v10  }
0x1d8: {  	v8 =	vld.idx.msk [tilespmem:v13+s20+$0x0], $0xffff  }
0x1d9: {  	v9 =	vld.idx.msk [tilespmem:v9+s20+$0x0], $0xffff;
	_ =	sdelay $0x1  }
0x1da: {  	s0 =	smin.u32 s29, $0x2  }
0x1db: {  	p1 =	sne.s32 s0, $0x1  }
.Ltmp15:
0x1dc: {  	[tilespmem:s7+$0x1F580] =	vst v8;
	(pc) =	sbr.rel @!p1 .LBB2_19-.Ltmp15, $4  }
0x1dd: {  	[tilespmem:s7+$0x1F590] =	vst v9  }
0x1de: {  	[hbm4b:s8+s9] =	stream.indirect_vreg.scatter [tilespmem:s5], [sflag:$0x2], $0x80, v11, vm0, $0xb8;
	[tilespmem:$0x1FE00] =	vst v63  }
0x1df: {  	_ =	swait.ge [sflag:s22], $0x800  }
0x1e0: {  	s0 =	sadd.s32 $0xFFFFFFFF, s0;
	[sflag:s22] =	ssyncset.done $0x0  }
.LBB2_18:
0x1e1: {  	p1 =	sne.s32 s0, $0x1;
	s0 =	sadd.s32 $0xFFFFFFFF, s0;
	[sflag:s22] =	ssyncadd.s32 $0xFFFFF800  }
.Ltmp16:
0x1e2: {  	(pc) =	sbr.rel @p1 .LBB2_18-.Ltmp16, $3  }
0x1e3: {  	_ =	sdelay $0x1  }
0x1e4: {  	_ =	swait.ge [sflag:s22], $0x800  }
0x1e5: {  	[sflag:s22] =	ssyncset.done $0x0  }
.Ltmp17:
0x1e6: {  	_ = 	snop;
	(pc) =	sbr.rel .LBB2_19-.Ltmp17, $1  }
0x1e7: {  	_ =	sdelay $0x3  }
.LBB2_9:
.Ltmp18:
0x1e8: {  	(pc) =	sbr.rel .LBB2_13-.Ltmp18, $2  }
0x1e9: {  	_ =	sdelay $0x2  }
0x1ea: {  	s5 =	simm.s32 $0x0;
	s29 =	simm.s32 $0x1CB80;
	s30 =	simm.s32 $0x0  }
.LBB2_11:
.Ltmp19:
0x1eb: {  	(pc) =	sbr.rel .LBB2_13-.Ltmp19, $2  }
0x1ec: {  	_ =	sdelay $0x2  }
0x1ed: {  	s5 =	simm.s32 $0x0;
	s29 =	simm.s32 $0x1CB80;
	s30 =	simm.s32 $0x0  }
.LBB2_23:
0x1ee: {  	_ =	sfence.sel $0x180000  }
0x1ef: {  	[bflag:$0x0] =	sbarrier.arrive $0xFFFF  }
0x1f0: {  	_ =	strace $0x90000047  }
0x1f1: {  	s0 =	stileid.u32;
	[bflag:$0x2] =	sbarrier.arrive $0xFFFF  }
0x1f2: {  	p0 =	sne.s32 s0, $0x0;
	s0 =	rddreg [dreg:$0x5]  }
0x1f3: {  	s0 =	sadd.s32 @!p0 $0x100000, s0  }
0x1f4: {  	[sflag:s0] =	ssyncadd.tile.s32 @!p0 $0x1;
	_ =	shalt  }
.Lfunc_end2:
_tile_overlayer_lowered:
.L_overlay_start_2:
0x1f5: {  	(tag) =	ssettag $0x2  }
0x1f6: {  	s0 =	rddreg [dreg:$0x0];
	s2 =	stileid.u32  }
0x1f7: {  	s1 =	rddreg [dreg:$0x1];
	p0 =	sne.s32 s2, $0x0  }
0x1f8: {  	s3 =	rddreg [dreg:$0x2];
	[bflag:$0x3] =	sbarrier.arrive $0xFFFF;
	s2 =	simm.s32 @!p0 $0x1C03  }
0x1f9: {  	[timem:s3], [sflag:s2] =	dma.local @!p0 [hbm:s0], s1  }
0x1fa: {  	s0 =	simm.s32 @!p0 $0x3  }
0x1fb: {  	_ =	swait.ge @!p0 [sflag:s0], s1  }
0x1fc: {  	s1 =	ssub.s32 @!p0 $0x0, s1;
	[sflag:s0] =	ssyncset.done @!p0 $0x0  }
0x1fd: {  	[sflag:s0] =	ssyncadd.s32 @!p0 s1  }
0x1fe: {  	[bflag:$0x3] =	sbarrier.arrive $0xFFFF  }
0x1ff: {  	_ =	shalt  }

</sc_bundles>
